<compile_context>
chip_gen: v7x
topology: tpu7x:2x2x1
jax: 0.10.2.dev20260603
libtpu: 0.0.44.dev20260713+nightly
codegen_flags: <defaults>
</compile_context>

<pallas_src>
import functools

import jax
import jax.numpy as jnp
from jax import lax
from jax.experimental import pallas as pl
from jax.experimental.pallas import tpu as pltpu, tpu_sc as plsc

N_NODES = 10000
N_EDGES = 320000
D_IN = 128
D_HID = 128
D_OUT = 16

NC = 2
NS = 16
NW = NC * NS
CHUNK = 128
NCHUNKS = 80
E_PAD = NW * NCHUNKS * CHUNK
EDGES_PER_W = NCHUNKS * CHUNK
N_PAD = 10240
ROWS_PER_TILE = N_PAD // NS
ZCOPIES = ROWS_PER_TILE // CHUNK


def _make_sc_agg(d):
    mesh = plsc.VectorSubcoreMesh(core_axis_name="c", subcore_axis_name="s")

    @functools.partial(
        pl.kernel,
        mesh=mesh,
        compiler_params=pltpu.CompilerParams(use_tc_tiling_on_sc=(d % 128 == 0)),
        out_type=jax.ShapeDtypeStruct((NC, N_PAD, d), jnp.float32),
        scratch_types=[
            pltpu.VMEM((CHUNK,), jnp.int32),
            pltpu.VMEM((CHUNK,), jnp.int32),
            pltpu.VMEM((CHUNK,), jnp.int32),
            pltpu.VMEM((CHUNK,), jnp.int32),
            pltpu.VMEM((CHUNK, d), jnp.float32),
            pltpu.VMEM((CHUNK, d), jnp.float32),
            pltpu.VMEM_SHARED((N_PAD, d), jnp.float32),
            pltpu.SemaphoreType.DMA,
            pltpu.SemaphoreType.DMA,
            pltpu.SemaphoreType.DMA,
            pltpu.SemaphoreType.DMA,
            pltpu.SemaphoreType.DMA,
            pltpu.SemaphoreType.DMA,
        ],
    )
    def agg(x_hbm, src_hbm, dst_hbm, out_hbm,
            src_a, src_b, dst_a, dst_b, buf_a, buf_b, acc,
            sem_ia, sem_ib, sem_a, sem_b, sem_sa, sem_sb):
        c = lax.axis_index("c")
        s = lax.axis_index("s")
        wid = c * NS + s
        ebase = wid * EDGES_PER_W

        zero = jnp.zeros((16,), jnp.float32)

        def zrow(r, _):
            for j in range(d // 16):
                buf_a[r, pl.ds(j * 16, 16)] = zero
            return 0

        lax.fori_loop(0, CHUNK, zrow, 0)
        rbase = s * ROWS_PER_TILE
        for k in range(ZCOPIES):
            pltpu.async_copy(buf_a, acc.at[pl.ds(rbase + k * CHUNK, CHUNK)], sem_a)
        for k in range(ZCOPIES):
            pltpu.make_async_copy(buf_a, acc.at[pl.ds(rbase, CHUNK)], sem_a).wait()
        plsc.subcore_barrier()

        def idx_copy(ci, idx_ref, hbm, sem):
            pltpu.async_copy(hbm.at[pl.ds(ebase + ci * CHUNK, CHUNK)], idx_ref, sem)

        def idx_wait(idx_ref, sem):
            pltpu.make_async_copy(src_hbm.at[pl.ds(0, CHUNK)], idx_ref, sem).wait()

        idx_copy(0, src_a, src_hbm, sem_ia)
        idx_copy(0, dst_a, dst_hbm, sem_ia)
        idx_copy(1, src_b, src_hbm, sem_ib)
        idx_copy(1, dst_b, dst_hbm, sem_ib)
        idx_wait(src_a, sem_ia)
        idx_wait(dst_a, sem_ia)
        pltpu.async_copy(x_hbm.at[src_a], buf_a, sem_a)

        def body(j, _):
            c0 = 2 * j
            c1 = c0 + 1

            @pl.when(j > 0)
            def _():
                pltpu.make_async_copy(buf_b, acc.at[dst_b], sem_sb).wait()

            idx_wait(src_b, sem_ib)
            idx_wait(dst_b, sem_ib)
            pltpu.async_copy(x_hbm.at[src_b], buf_b, sem_b)
            pltpu.make_async_copy(x_hbm.at[src_a], buf_a, sem_a).wait()
            pltpu.async_copy(buf_a, acc.at[dst_a], sem_sa, add=True)

            @pl.when(c0 + 2 < NCHUNKS)
            def _():
                idx_copy(c0 + 2, src_a, src_hbm, sem_ia)
                idx_copy(c0 + 2, dst_a, dst_hbm, sem_ia)

            pltpu.make_async_copy(buf_a, acc.at[dst_a], sem_sa).wait()

            @pl.when(c0 + 2 < NCHUNKS)
            def _():
                idx_wait(src_a, sem_ia)
                idx_wait(dst_a, sem_ia)
                pltpu.async_copy(x_hbm.at[src_a], buf_a, sem_a)

            pltpu.make_async_copy(x_hbm.at[src_b], buf_b, sem_b).wait()
            pltpu.async_copy(buf_b, acc.at[dst_b], sem_sb, add=True)

            @pl.when(c1 + 2 < NCHUNKS)
            def _():
                idx_copy(c1 + 2, src_b, src_hbm, sem_ib)
                idx_copy(c1 + 2, dst_b, dst_hbm, sem_ib)

            return 0

        lax.fori_loop(0, NCHUNKS // 2, body, 0)
        pltpu.make_async_copy(buf_b, acc.at[dst_b], sem_sb).wait()
        plsc.subcore_barrier()

        pltpu.sync_copy(
            acc.at[pl.ds(rbase, ROWS_PER_TILE)],
            out_hbm.at[c, pl.ds(rbase, ROWS_PER_TILE)],
        )

    return agg


_sc_agg_128 = _make_sc_agg(D_HID)


def _mm_body(p_ref, w1_ref, b1_ref, h_ref):
    h = p_ref[0] + p_ref[1]
    h = jnp.dot(h, w1_ref[...], preferred_element_type=jnp.float32) + b1_ref[...]
    h_ref[...] = jnp.maximum(h, 0.0)


def _sm_body(q_ref, w2_ref, b2_ref, o_ref):
    z = q_ref[0] + q_ref[1]
    z = jnp.dot(z, w2_ref[...], preferred_element_type=jnp.float32) + b2_ref[...]
    z = z - jnp.max(z, axis=-1, keepdims=True)
    e = jnp.exp(z)
    o_ref[...] = e / jnp.sum(e, axis=-1, keepdims=True)


_MM_BLOCK = 1024


def _tc_mm(p, w1, b1):
    return pl.pallas_call(
        _mm_body,
        grid=(N_PAD // _MM_BLOCK,),
        in_specs=[
            pl.BlockSpec((NC, _MM_BLOCK, D_HID), lambda i: (0, i, 0)),
            pl.BlockSpec((D_IN, D_HID), lambda i: (0, 0)),
            pl.BlockSpec((1, D_HID), lambda i: (0, 0)),
        ],
        out_specs=pl.BlockSpec((_MM_BLOCK, D_HID), lambda i: (i, 0)),
        out_shape=jax.ShapeDtypeStruct((N_PAD, D_HID), jnp.float32),
    )(p, w1, b1)


def _tc_softmax(q, w2, b2):
    return pl.pallas_call(
        _sm_body,
        grid=(N_PAD // _MM_BLOCK,),
        in_specs=[
            pl.BlockSpec((NC, _MM_BLOCK, D_HID), lambda i: (0, i, 0)),
            pl.BlockSpec((D_HID, D_OUT), lambda i: (0, 0)),
            pl.BlockSpec((1, D_OUT), lambda i: (0, 0)),
        ],
        out_specs=pl.BlockSpec((_MM_BLOCK, D_OUT), lambda i: (i, 0)),
        out_shape=jax.ShapeDtypeStruct((N_PAD, D_OUT), jnp.float32),
    )(q, w2, b2)


def kernel(x, edge_index, W1, b1, W2, b2):
    edges = edge_index.astype(jnp.int32)
    npad = E_PAD - N_EDGES
    iota = jnp.arange(npad, dtype=jnp.int32)
    src = jnp.concatenate([edges[0], iota % N_NODES])
    dst = jnp.concatenate([edges[1], N_NODES + iota % (N_PAD - N_NODES)])
    p = _sc_agg_128(x, src, dst)
    h1 = _tc_mm(p, W1, b1.reshape(1, D_HID))
    q = _sc_agg_128(h1, src, dst)
    out = _tc_softmax(q, W2, b2.reshape(1, D_OUT))
    return out[:N_NODES, :, None]

# --- scband reference (transcript-rebuilt; emitter-appended) ---
"""Pipeline reference for scband-gcn-77309411328660 (READ-ONLY COPY).

The authoritative reference and input builder live on the scoring server;
editing this copy changes nothing except your own understanding.
"""

import jax, jax.numpy as jnp
import numpy as np

N_NODES = 10000
N_EDGES = 320000
D_IN = 128
D_HID = 128
D_OUT = 16


def setup_inputs(seed: int = 0) -> dict:
    key = jax.random.key(seed)
    k_x, k_e, k_w1, k_b1, k_w2, k_b2 = jax.random.split(key, 6)
    x = jax.random.normal(k_x, (N_NODES, D_IN), dtype=jnp.float32)
    edge_index = jax.random.randint(k_e, (2, N_EDGES), 0, N_NODES, dtype=jnp.int64)
    # Linear layers: store as (in, out) weight for x @ W + b (equivalent to torch Linear with W.T)
    W1 = jax.random.normal(k_w1, (D_IN, D_HID), dtype=jnp.float32) * (1.0 / np.sqrt(D_IN))
    b1 = jax.random.normal(k_b1, (D_HID,), dtype=jnp.float32) * 0.01
    W2 = jax.random.normal(k_w2, (D_HID, D_OUT), dtype=jnp.float32) * (1.0 / np.sqrt(D_HID))
    b2 = jax.random.normal(k_b2, (D_OUT,), dtype=jnp.float32) * 0.01
    return {"x": x, "edge_index": edge_index, "W1": W1, "b1": b1, "W2": W2, "b2": b2}


def _gcn_layer(x, src, dst, W, b):
    # DGL: copy_src -> sum reduce: for each dst node, sum features of src neighbors
    msg = jnp.take(x, src, axis=0)                       # gather [E, d]
    h = jax.ops.segment_sum(msg, dst, num_segments=N_NODES)  # scatter-add [N, d]
    return h @ W + b


def reference(x, edge_index, W1, b1, W2, b2):
    src = edge_index[0]
    dst = edge_index[1]
    h = _gcn_layer(x, src, dst, W1, b1)
    h = jax.nn.relu(h)
    h = _gcn_layer(h, src, dst, W2, b2)
    h = jax.nn.softmax(h, axis=-1)
    return h[..., None]

if __name__ == "__main__":
    import jax
    _d = setup_inputs()
    print(jax.jit(kernel)(*tuple(_d.values())))

</pallas_src>

<mosaic_0001>
#map = affine_map<(d0, d1) -> (0, 0)>
#map1 = affine_map<(d0, d1) -> (0)>
#map2 = affine_map<(d0, d1) -> (0, 0, 0)>
module attributes {stable_mosaic.version = 14 : i64} {
  func.func @agg(%arg0: i32, %arg1: i32, %arg2: memref<10240x128xf32, #tpu.memory_space<hbm>>, %arg3: memref<327680xi32, #tpu.memory_space<hbm>>, %arg4: memref<327680xi32, #tpu.memory_space<hbm>>, %arg5: memref<2x10240x128xf32, #tpu.memory_space<hbm>>, %arg6: memref<128xi32, #tpu.memory_space<vmem>>, %arg7: memref<128xi32, #tpu.memory_space<vmem>>, %arg8: memref<128xi32, #tpu.memory_space<vmem>>, %arg9: memref<128xi32, #tpu.memory_space<vmem>>, %arg10: memref<128x128xf32, #tpu.memory_space<vmem>>, %arg11: memref<128x128xf32, #tpu.memory_space<vmem>>, %arg12: memref<10240x128xf32, #tpu.memory_space<vmem_shared>>, %arg13: memref<!tpu.dma_semaphore, #tpu.memory_space<semaphore_mem>>, %arg14: memref<!tpu.dma_semaphore, #tpu.memory_space<semaphore_mem>>, %arg15: memref<!tpu.dma_semaphore, #tpu.memory_space<semaphore_mem>>, %arg16: memref<!tpu.dma_semaphore, #tpu.memory_space<semaphore_mem>>, %arg17: memref<!tpu.dma_semaphore, #tpu.memory_space<semaphore_mem>>, %arg18: memref<!tpu.dma_semaphore, #tpu.memory_space<semaphore_mem>>) attributes {dimension_semantics = [#tpu.dimension_semantics<core_parallel>, #tpu.dimension_semantics<subcore_parallel>], iteration_bounds = array<i64: 2, 16>, scalar_prefetch = 0 : i64, scratch_operands = 13 : i64, tpu.core_type = #tpu.core_type<sc_vector_subcore>, window_params = [{transform_indices = #map}, {transform_indices = #map1}, {transform_indices = #map1}, {transform_indices = #map2}]} {
    %mul3A = arith.constant 16 : i32
    %mul3A_0 = arith.muli %arg0, %mul3A : i32
    %add3A = arith.addi %mul3A_0, %arg1 : i32
    %mul3A_1 = arith.constant 10240 : i32
    %mul3A_2 = arith.muli %add3A, %mul3A_1 : i32
    %broadcast_in_dim3A = arith.constant 0.000000e+00 : f32
    %broadcast_in_dim3A_3 = vector.broadcast %broadcast_in_dim3A : f32 to vector<16xf32>
    %scan3A = arith.constant 0 : i32
    %scan3A_4 = arith.constant 0 : i32
    %scan3A_5 = arith.constant 128 : i32
    %scan3A_6 = arith.addi %scan3A_4, %scan3A_5 : i32
    %scan3A_7 = arith.constant 1 : i32
    %scan3A_8 = scf.for %scan3A_98 = %scan3A_4 to %scan3A_6 step %scan3A_7 iter_args(%scan3A_99 = %scan3A) -> (i32)  : i32 {
      %swap3A = arith.index_cast %scan3A_98 : i32 to index
      %swap3A_100 = arith.constant 0 : index
      %swap3A_101 = tpu.vector_load %arg10[%swap3A, %swap3A_100] {strides = array<i32>} : memref<128x128xf32, #tpu.memory_space<vmem>>, vector<1x16xf32>,
      %swap3A_102 = vector.shape_cast %swap3A_101 : vector<1x16xf32> to vector<16xf32>
      %swap3A_103 = vector.shape_cast %broadcast_in_dim3A_3 : vector<16xf32> to vector<1x16xf32>
      tpu.vector_store %arg10[%swap3A, %swap3A_100], %swap3A_103 {strides = array<i32>} : memref<128x128xf32, #tpu.memory_space<vmem>>, vector<1x16xf32>,
      %swap3A_104 = arith.index_cast %scan3A_98 : i32 to index
      %swap3A_105 = arith.constant 16 : index
      %swap3A_106 = tpu.vector_load %arg10[%swap3A_104, %swap3A_105] {strides = array<i32>} : memref<128x128xf32, #tpu.memory_space<vmem>>, vector<1x16xf32>,
      %swap3A_107 = vector.shape_cast %swap3A_106 : vector<1x16xf32> to vector<16xf32>
      %swap3A_108 = vector.shape_cast %broadcast_in_dim3A_3 : vector<16xf32> to vector<1x16xf32>
      tpu.vector_store %arg10[%swap3A_104, %swap3A_105], %swap3A_108 {strides = array<i32>} : memref<128x128xf32, #tpu.memory_space<vmem>>, vector<1x16xf32>,
      %swap3A_109 = arith.index_cast %scan3A_98 : i32 to index
      %swap3A_110 = arith.constant 32 : index
      %swap3A_111 = tpu.vector_load %arg10[%swap3A_109, %swap3A_110] {strides = array<i32>} : memref<128x128xf32, #tpu.memory_space<vmem>>, vector<1x16xf32>,
      %swap3A_112 = vector.shape_cast %swap3A_111 : vector<1x16xf32> to vector<16xf32>
      %swap3A_113 = vector.shape_cast %broadcast_in_dim3A_3 : vector<16xf32> to vector<1x16xf32>
      tpu.vector_store %arg10[%swap3A_109, %swap3A_110], %swap3A_113 {strides = array<i32>} : memref<128x128xf32, #tpu.memory_space<vmem>>, vector<1x16xf32>,
      %swap3A_114 = arith.index_cast %scan3A_98 : i32 to index
      %swap3A_115 = arith.constant 48 : index
      %swap3A_116 = tpu.vector_load %arg10[%swap3A_114, %swap3A_115] {strides = array<i32>} : memref<128x128xf32, #tpu.memory_space<vmem>>, vector<1x16xf32>,
      %swap3A_117 = vector.shape_cast %swap3A_116 : vector<1x16xf32> to vector<16xf32>
      %swap3A_118 = vector.shape_cast %broadcast_in_dim3A_3 : vector<16xf32> to vector<1x16xf32>
      tpu.vector_store %arg10[%swap3A_114, %swap3A_115], %swap3A_118 {strides = array<i32>} : memref<128x128xf32, #tpu.memory_space<vmem>>, vector<1x16xf32>,
      %swap3A_119 = arith.index_cast %scan3A_98 : i32 to index
      %swap3A_120 = arith.constant 64 : index
      %swap3A_121 = tpu.vector_load %arg10[%swap3A_119, %swap3A_120] {strides = array<i32>} : memref<128x128xf32, #tpu.memory_space<vmem>>, vector<1x16xf32>,
      %swap3A_122 = vector.shape_cast %swap3A_121 : vector<1x16xf32> to vector<16xf32>
      %swap3A_123 = vector.shape_cast %broadcast_in_dim3A_3 : vector<16xf32> to vector<1x16xf32>
      tpu.vector_store %arg10[%swap3A_119, %swap3A_120], %swap3A_123 {strides = array<i32>} : memref<128x128xf32, #tpu.memory_space<vmem>>, vector<1x16xf32>,
      %swap3A_124 = arith.index_cast %scan3A_98 : i32 to index
      %swap3A_125 = arith.constant 80 : index
      %swap3A_126 = tpu.vector_load %arg10[%swap3A_124, %swap3A_125] {strides = array<i32>} : memref<128x128xf32, #tpu.memory_space<vmem>>, vector<1x16xf32>,
      %swap3A_127 = vector.shape_cast %swap3A_126 : vector<1x16xf32> to vector<16xf32>
      %swap3A_128 = vector.shape_cast %broadcast_in_dim3A_3 : vector<16xf32> to vector<1x16xf32>
      tpu.vector_store %arg10[%swap3A_124, %swap3A_125], %swap3A_128 {strides = array<i32>} : memref<128x128xf32, #tpu.memory_space<vmem>>, vector<1x16xf32>,
      %swap3A_129 = arith.index_cast %scan3A_98 : i32 to index
      %swap3A_130 = arith.constant 96 : index
      %swap3A_131 = tpu.vector_load %arg10[%swap3A_129, %swap3A_130] {strides = array<i32>} : memref<128x128xf32, #tpu.memory_space<vmem>>, vector<1x16xf32>,
      %swap3A_132 = vector.shape_cast %swap3A_131 : vector<1x16xf32> to vector<16xf32>
      %swap3A_133 = vector.shape_cast %broadcast_in_dim3A_3 : vector<16xf32> to vector<1x16xf32>
      tpu.vector_store %arg10[%swap3A_129, %swap3A_130], %swap3A_133 {strides = array<i32>} : memref<128x128xf32, #tpu.memory_space<vmem>>, vector<1x16xf32>,
      %swap3A_134 = arith.index_cast %scan3A_98 : i32 to index
      %swap3A_135 = arith.constant 112 : index
      %swap3A_136 = tpu.vector_load %arg10[%swap3A_134, %swap3A_135] {strides = array<i32>} : memref<128x128xf32, #tpu.memory_space<vmem>>, vector<1x16xf32>,
      %swap3A_137 = vector.shape_cast %swap3A_136 : vector<1x16xf32> to vector<16xf32>
      %swap3A_138 = vector.shape_cast %broadcast_in_dim3A_3 : vector<16xf32> to vector<1x16xf32>
      tpu.vector_store %arg10[%swap3A_134, %swap3A_135], %swap3A_138 {strides = array<i32>} : memref<128x128xf32, #tpu.memory_space<vmem>>, vector<1x16xf32>,
      %scan3A_139 = arith.constant 0 : i32
      scf.yield %scan3A_139 : i32
    }
    %scan3A_9 = arith.constant 128 : i32
    %mul3A_10 = arith.constant 640 : i32
    %mul3A_11 = arith.muli %arg1, %mul3A_10 : i32
    %add3A_12 = arith.constant 0 : i32
    %add3A_13 = arith.addi %mul3A_11, %add3A_12 : i32
    %dma_start3A = arith.constant 0 : i32
    %dma_start3A_14 = tpu.memref_slice %arg12[%add3A_13, %dma_start3A] : memref<10240x128xf32, #tpu.memory_space<vmem_shared>> -> memref<128x128xf32, #tpu.memory_space<vmem_shared>>
    %dma_start3A_15 = arith.constant 0 : i32
    %dma_start3A_16 = tpu.memref_slice %arg12[%add3A_13, %dma_start3A_15] : memref<10240x128xf32, #tpu.memory_space<vmem_shared>> -> memref<128x128xf32, #tpu.memory_space<vmem_shared>>
    tpu.enqueue_dma source(%arg10 : memref<128x128xf32, #tpu.memory_space<vmem>>) target(%dma_start3A_16 : memref<128x128xf32, #tpu.memory_space<vmem_shared>>) target_semaphore(%arg15 : memref<!tpu.dma_semaphore, #tpu.memory_space<semaphore_mem>>)
    %add3A_17 = arith.constant 128 : i32
    %add3A_18 = arith.addi %mul3A_11, %add3A_17 : i32
    %dma_start3A_19 = arith.constant 0 : i32
    %dma_start3A_20 = tpu.memref_slice %arg12[%add3A_18, %dma_start3A_19] : memref<10240x128xf32, #tpu.memory_space<vmem_shared>> -> memref<128x128xf32, #tpu.memory_space<vmem_shared>>
    %dma_start3A_21 = arith.constant 0 : i32
    %dma_start3A_22 = tpu.memref_slice %arg12[%add3A_18, %dma_start3A_21] : memref<10240x128xf32, #tpu.memory_space<vmem_shared>> -> memref<128x128xf32, #tpu.memory_space<vmem_shared>>
    tpu.enqueue_dma source(%arg10 : memref<128x128xf32, #tpu.memory_space<vmem>>) target(%dma_start3A_22 : memref<128x128xf32, #tpu.memory_space<vmem_shared>>) target_semaphore(%arg15 : memref<!tpu.dma_semaphore, #tpu.memory_space<semaphore_mem>>)
    %add3A_23 = arith.constant 256 : i32
    %add3A_24 = arith.addi %mul3A_11, %add3A_23 : i32
    %dma_start3A_25 = arith.constant 0 : i32
    %dma_start3A_26 = tpu.memref_slice %arg12[%add3A_24, %dma_start3A_25] : memref<10240x128xf32, #tpu.memory_space<vmem_shared>> -> memref<128x128xf32, #tpu.memory_space<vmem_shared>>
    %dma_start3A_27 = arith.constant 0 : i32
    %dma_start3A_28 = tpu.memref_slice %arg12[%add3A_24, %dma_start3A_27] : memref<10240x128xf32, #tpu.memory_space<vmem_shared>> -> memref<128x128xf32, #tpu.memory_space<vmem_shared>>
    tpu.enqueue_dma source(%arg10 : memref<128x128xf32, #tpu.memory_space<vmem>>) target(%dma_start3A_28 : memref<128x128xf32, #tpu.memory_space<vmem_shared>>) target_semaphore(%arg15 : memref<!tpu.dma_semaphore, #tpu.memory_space<semaphore_mem>>)
    %add3A_29 = arith.constant 384 : i32
    %add3A_30 = arith.addi %mul3A_11, %add3A_29 : i32
    %dma_start3A_31 = arith.constant 0 : i32
    %dma_start3A_32 = tpu.memref_slice %arg12[%add3A_30, %dma_start3A_31] : memref<10240x128xf32, #tpu.memory_space<vmem_shared>> -> memref<128x128xf32, #tpu.memory_space<vmem_shared>>
    %dma_start3A_33 = arith.constant 0 : i32
    %dma_start3A_34 = tpu.memref_slice %arg12[%add3A_30, %dma_start3A_33] : memref<10240x128xf32, #tpu.memory_space<vmem_shared>> -> memref<128x128xf32, #tpu.memory_space<vmem_shared>>
    tpu.enqueue_dma source(%arg10 : memref<128x128xf32, #tpu.memory_space<vmem>>) target(%dma_start3A_34 : memref<128x128xf32, #tpu.memory_space<vmem_shared>>) target_semaphore(%arg15 : memref<!tpu.dma_semaphore, #tpu.memory_space<semaphore_mem>>)
    %add3A_35 = arith.constant 512 : i32
    %add3A_36 = arith.addi %mul3A_11, %add3A_35 : i32
    %dma_start3A_37 = arith.constant 0 : i32
    %dma_start3A_38 = tpu.memref_slice %arg12[%add3A_36, %dma_start3A_37] : memref<10240x128xf32, #tpu.memory_space<vmem_shared>> -> memref<128x128xf32, #tpu.memory_space<vmem_shared>>
    %dma_start3A_39 = arith.constant 0 : i32
    %dma_start3A_40 = tpu.memref_slice %arg12[%add3A_36, %dma_start3A_39] : memref<10240x128xf32, #tpu.memory_space<vmem_shared>> -> memref<128x128xf32, #tpu.memory_space<vmem_shared>>
    tpu.enqueue_dma source(%arg10 : memref<128x128xf32, #tpu.memory_space<vmem>>) target(%dma_start3A_40 : memref<128x128xf32, #tpu.memory_space<vmem_shared>>) target_semaphore(%arg15 : memref<!tpu.dma_semaphore, #tpu.memory_space<semaphore_mem>>)
    %dma_wait3A = arith.constant 0 : i32
    %dma_wait3A_41 = tpu.memref_slice %arg12[%mul3A_11, %dma_wait3A] : memref<10240x128xf32, #tpu.memory_space<vmem_shared>> -> memref<128x128xf32, #tpu.memory_space<vmem_shared>>
    %dma_wait3A_42 = arith.constant 0 : i32
    %dma_wait3A_43 = tpu.memref_slice %arg12[%mul3A_11, %dma_wait3A_42] : memref<10240x128xf32, #tpu.memory_space<vmem_shared>> -> memref<128x128xf32, #tpu.memory_space<vmem_shared>>
    tpu.wait_dma2 semaphore(%arg15 : memref<!tpu.dma_semaphore, #tpu.memory_space<semaphore_mem>>) src(%arg10 : memref<128x128xf32, #tpu.memory_space<vmem>>) dst(%dma_wait3A_43 : memref<128x128xf32, #tpu.memory_space<vmem_shared>>)
    %dma_wait3A_44 = arith.constant 0 : i32
    %dma_wait3A_45 = tpu.memref_slice %arg12[%mul3A_11, %dma_wait3A_44] : memref<10240x128xf32, #tpu.memory_space<vmem_shared>> -> memref<128x128xf32, #tpu.memory_space<vmem_shared>>
    %dma_wait3A_46 = arith.constant 0 : i32
    %dma_wait3A_47 = tpu.memref_slice %arg12[%mul3A_11, %dma_wait3A_46] : memref<10240x128xf32, #tpu.memory_space<vmem_shared>> -> memref<128x128xf32, #tpu.memory_space<vmem_shared>>
    tpu.wait_dma2 semaphore(%arg15 : memref<!tpu.dma_semaphore, #tpu.memory_space<semaphore_mem>>) src(%arg10 : memref<128x128xf32, #tpu.memory_space<vmem>>) dst(%dma_wait3A_47 : memref<128x128xf32, #tpu.memory_space<vmem_shared>>)
    %dma_wait3A_48 = arith.constant 0 : i32
    %dma_wait3A_49 = tpu.memref_slice %arg12[%mul3A_11, %dma_wait3A_48] : memref<10240x128xf32, #tpu.memory_space<vmem_shared>> -> memref<128x128xf32, #tpu.memory_space<vmem_shared>>
    %dma_wait3A_50 = arith.constant 0 : i32
    %dma_wait3A_51 = tpu.memref_slice %arg12[%mul3A_11, %dma_wait3A_50] : memref<10240x128xf32, #tpu.memory_space<vmem_shared>> -> memref<128x128xf32, #tpu.memory_space<vmem_shared>>
    tpu.wait_dma2 semaphore(%arg15 : memref<!tpu.dma_semaphore, #tpu.memory_space<semaphore_mem>>) src(%arg10 : memref<128x128xf32, #tpu.memory_space<vmem>>) dst(%dma_wait3A_51 : memref<128x128xf32, #tpu.memory_space<vmem_shared>>)
    %dma_wait3A_52 = arith.constant 0 : i32
    %dma_wait3A_53 = tpu.memref_slice %arg12[%mul3A_11, %dma_wait3A_52] : memref<10240x128xf32, #tpu.memory_space<vmem_shared>> -> memref<128x128xf32, #tpu.memory_space<vmem_shared>>
    %dma_wait3A_54 = arith.constant 0 : i32
    %dma_wait3A_55 = tpu.memref_slice %arg12[%mul3A_11, %dma_wait3A_54] : memref<10240x128xf32, #tpu.memory_space<vmem_shared>> -> memref<128x128xf32, #tpu.memory_space<vmem_shared>>
    tpu.wait_dma2 semaphore(%arg15 : memref<!tpu.dma_semaphore, #tpu.memory_space<semaphore_mem>>) src(%arg10 : memref<128x128xf32, #tpu.memory_space<vmem>>) dst(%dma_wait3A_55 : memref<128x128xf32, #tpu.memory_space<vmem_shared>>)
    %dma_wait3A_56 = arith.constant 0 : i32
    %dma_wait3A_57 = tpu.memref_slice %arg12[%mul3A_11, %dma_wait3A_56] : memref<10240x128xf32, #tpu.memory_space<vmem_shared>> -> memref<128x128xf32, #tpu.memory_space<vmem_shared>>
    %dma_wait3A_58 = arith.constant 0 : i32
    %dma_wait3A_59 = tpu.memref_slice %arg12[%mul3A_11, %dma_wait3A_58] : memref<10240x128xf32, #tpu.memory_space<vmem_shared>> -> memref<128x128xf32, #tpu.memory_space<vmem_shared>>
    tpu.wait_dma2 semaphore(%arg15 : memref<!tpu.dma_semaphore, #tpu.memory_space<semaphore_mem>>) src(%arg10 : memref<128x128xf32, #tpu.memory_space<vmem>>) dst(%dma_wait3A_59 : memref<128x128xf32, #tpu.memory_space<vmem_shared>>)
    %barrier3A = arith.constant 0 : index
    tpu.barrier barrier_id(%barrier3A)
    %add3A_60 = arith.constant 0 : i32
    %add3A_61 = arith.addi %mul3A_2, %add3A_60 : i32
    %dma_start3A_62 = tpu.memref_slice %arg3[%add3A_61] : memref<327680xi32, #tpu.memory_space<hbm>> -> memref<128xi32, #tpu.memory_space<hbm>>
    %dma_start3A_63 = tpu.memref_slice %arg3[%add3A_61] : memref<327680xi32, #tpu.memory_space<hbm>> -> memref<128xi32, #tpu.memory_space<hbm>>
    tpu.enqueue_dma source(%dma_start3A_63 : memref<128xi32, #tpu.memory_space<hbm>>) target(%arg6 : memref<128xi32, #tpu.memory_space<vmem>>) target_semaphore(%arg13 : memref<!tpu.dma_semaphore, #tpu.memory_space<semaphore_mem>>)
    %add3A_64 = arith.constant 0 : i32
    %add3A_65 = arith.addi %mul3A_2, %add3A_64 : i32
    %dma_start3A_66 = tpu.memref_slice %arg4[%add3A_65] : memref<327680xi32, #tpu.memory_space<hbm>> -> memref<128xi32, #tpu.memory_space<hbm>>
    %dma_start3A_67 = tpu.memref_slice %arg4[%add3A_65] : memref<327680xi32, #tpu.memory_space<hbm>> -> memref<128xi32, #tpu.memory_space<hbm>>
    tpu.enqueue_dma source(%dma_start3A_67 : memref<128xi32, #tpu.memory_space<hbm>>) target(%arg8 : memref<128xi32, #tpu.memory_space<vmem>>) target_semaphore(%arg13 : memref<!tpu.dma_semaphore, #tpu.memory_space<semaphore_mem>>)
    %add3A_68 = arith.constant 128 : i32
    %add3A_69 = arith.addi %mul3A_2, %add3A_68 : i32
    %dma_start3A_70 = tpu.memref_slice %arg3[%add3A_69] : memref<327680xi32, #tpu.memory_space<hbm>> -> memref<128xi32, #tpu.memory_space<hbm>>
    %dma_start3A_71 = tpu.memref_slice %arg3[%add3A_69] : memref<327680xi32, #tpu.memory_space<hbm>> -> memref<128xi32, #tpu.memory_space<hbm>>
    tpu.enqueue_dma source(%dma_start3A_71 : memref<128xi32, #tpu.memory_space<hbm>>) target(%arg7 : memref<128xi32, #tpu.memory_space<vmem>>) target_semaphore(%arg14 : memref<!tpu.dma_semaphore, #tpu.memory_space<semaphore_mem>>)
    %add3A_72 = arith.constant 128 : i32
    %add3A_73 = arith.addi %mul3A_2, %add3A_72 : i32
    %dma_start3A_74 = tpu.memref_slice %arg4[%add3A_73] : memref<327680xi32, #tpu.memory_space<hbm>> -> memref<128xi32, #tpu.memory_space<hbm>>
    %dma_start3A_75 = tpu.memref_slice %arg4[%add3A_73] : memref<327680xi32, #tpu.memory_space<hbm>> -> memref<128xi32, #tpu.memory_space<hbm>>
    tpu.enqueue_dma source(%dma_start3A_75 : memref<128xi32, #tpu.memory_space<hbm>>) target(%arg9 : memref<128xi32, #tpu.memory_space<vmem>>) target_semaphore(%arg14 : memref<!tpu.dma_semaphore, #tpu.memory_space<semaphore_mem>>)
    %dma_wait3A_76 = arith.constant 0 : i32
    %dma_wait3A_77 = tpu.memref_slice %arg3[%dma_wait3A_76] : memref<327680xi32, #tpu.memory_space<hbm>> -> memref<128xi32, #tpu.memory_space<hbm>>
    %dma_wait3A_78 = arith.constant 0 : i32
    %dma_wait3A_79 = tpu.memref_slice %arg3[%dma_wait3A_78] : memref<327680xi32, #tpu.memory_space<hbm>> -> memref<128xi32, #tpu.memory_space<hbm>>
    tpu.wait_dma2 semaphore(%arg13 : memref<!tpu.dma_semaphore, #tpu.memory_space<semaphore_mem>>) src(%dma_wait3A_79 : memref<128xi32, #tpu.memory_space<hbm>>) dst(%arg6 : memref<128xi32, #tpu.memory_space<vmem>>)
    %dma_wait3A_80 = arith.constant 0 : i32
    %dma_wait3A_81 = tpu.memref_slice %arg3[%dma_wait3A_80] : memref<327680xi32, #tpu.memory_space<hbm>> -> memref<128xi32, #tpu.memory_space<hbm>>
    %dma_wait3A_82 = arith.constant 0 : i32
    %dma_wait3A_83 = tpu.memref_slice %arg3[%dma_wait3A_82] : memref<327680xi32, #tpu.memory_space<hbm>> -> memref<128xi32, #tpu.memory_space<hbm>>
    tpu.wait_dma2 semaphore(%arg13 : memref<!tpu.dma_semaphore, #tpu.memory_space<semaphore_mem>>) src(%dma_wait3A_83 : memref<128xi32, #tpu.memory_space<hbm>>) dst(%arg8 : memref<128xi32, #tpu.memory_space<vmem>>)
    %dma_start3A_84 = arith.constant 0 : i32
    %dma_start3A_85 = arith.constant 0 : i32
    %dma_start3A_86 = tpu.memref_slice %arg2[%dma_start3A_84, %dma_start3A_85] : memref<10240x128xf32, #tpu.memory_space<hbm>> -> memref<10240x128xf32, #tpu.memory_space<hbm>>
    tpu.enqueue_indirect_dma source(%dma_start3A_86 : memref<10240x128xf32, #tpu.memory_space<hbm>>) target(%arg10 : memref<128x128xf32, #tpu.memory_space<vmem>>) offsets(%arg6 : memref<128xi32, #tpu.memory_space<vmem>>) semaphore(%arg15 : memref<!tpu.dma_semaphore, #tpu.memory_space<semaphore_mem>>)
    %scan3A_87 = arith.constant 0 : i32
    %scan3A_88 = arith.constant 0 : i32
    %scan3A_89 = arith.constant 40 : i32
    %scan3A_90 = arith.addi %scan3A_88, %scan3A_89 : i32
    %scan3A_91 = arith.constant 1 : i32
    %scan3A_92 = scf.for %scan3A_98 = %scan3A_88 to %scan3A_90 step %scan3A_91 iter_args(%scan3A_99 = %scan3A_87) -> (i32)  : i32 {
      %mul3A_100 = arith.constant 2 : i32
      %mul3A_101 = arith.muli %mul3A_100, %scan3A_98 : i32
      %add3A_102 = arith.constant 1 : i32
      %add3A_103 = arith.addi %mul3A_101, %add3A_102 : i32
      %gt3A = arith.constant 0 : i32
      %gt3A_104 = arith.cmpi sgt, %scan3A_98, %gt3A : i32
      %convert_element_type3A = arith.extui %gt3A_104 : i1 to i32
      %cond3A = arith.constant 0 : i32
      %cond3A_105 = arith.cmpi ne, %convert_element_type3A, %cond3A : i32
      scf.if %cond3A_105 {
        %dma_wait3A_153 = arith.constant 0 : i32
        %dma_wait3A_154 = arith.constant 0 : i32
        %dma_wait3A_155 = tpu.memref_slice %arg12[%dma_wait3A_153, %dma_wait3A_154] : memref<10240x128xf32, #tpu.memory_space<vmem_shared>> -> memref<10240x128xf32, #tpu.memory_space<vmem_shared>>
        tpu.wait_indirect_dma semaphore(%arg18 : memref<!tpu.dma_semaphore, #tpu.memory_space<semaphore_mem>>) src(%arg11 : memref<128x128xf32, #tpu.memory_space<vmem>>) dst(%dma_wait3A_155 : memref<10240x128xf32, #tpu.memory_space<vmem_shared>>)
      } else {
      }
      %dma_wait3A_106 = arith.constant 0 : i32
      %dma_wait3A_107 = tpu.memref_slice %arg3[%dma_wait3A_106] : memref<327680xi32, #tpu.memory_space<hbm>> -> memref<128xi32, #tpu.memory_space<hbm>>
      %dma_wait3A_108 = arith.constant 0 : i32
      %dma_wait3A_109 = tpu.memref_slice %arg3[%dma_wait3A_108] : memref<327680xi32, #tpu.memory_space<hbm>> -> memref<128xi32, #tpu.memory_space<hbm>>
      tpu.wait_dma2 semaphore(%arg14 : memref<!tpu.dma_semaphore, #tpu.memory_space<semaphore_mem>>) src(%dma_wait3A_109 : memref<128xi32, #tpu.memory_space<hbm>>) dst(%arg7 : memref<128xi32, #tpu.memory_space<vmem>>)
      %dma_wait3A_110 = arith.constant 0 : i32
      %dma_wait3A_111 = tpu.memref_slice %arg3[%dma_wait3A_110] : memref<327680xi32, #tpu.memory_space<hbm>> -> memref<128xi32, #tpu.memory_space<hbm>>
      %dma_wait3A_112 = arith.constant 0 : i32
      %dma_wait3A_113 = tpu.memref_slice %arg3[%dma_wait3A_112] : memref<327680xi32, #tpu.memory_space<hbm>> -> memref<128xi32, #tpu.memory_space<hbm>>
      tpu.wait_dma2 semaphore(%arg14 : memref<!tpu.dma_semaphore, #tpu.memory_space<semaphore_mem>>) src(%dma_wait3A_113 : memref<128xi32, #tpu.memory_space<hbm>>) dst(%arg9 : memref<128xi32, #tpu.memory_space<vmem>>)
      %dma_start3A_114 = arith.constant 0 : i32
      %dma_start3A_115 = arith.constant 0 : i32
      %dma_start3A_116 = tpu.memref_slice %arg2[%dma_start3A_114, %dma_start3A_115] : memref<10240x128xf32, #tpu.memory_space<hbm>> -> memref<10240x128xf32, #tpu.memory_space<hbm>>
      tpu.enqueue_indirect_dma source(%dma_start3A_116 : memref<10240x128xf32, #tpu.memory_space<hbm>>) target(%arg11 : memref<128x128xf32, #tpu.memory_space<vmem>>) offsets(%arg7 : memref<128xi32, #tpu.memory_space<vmem>>) semaphore(%arg16 : memref<!tpu.dma_semaphore, #tpu.memory_space<semaphore_mem>>)
      %dma_wait3A_117 = arith.constant 0 : i32
      %dma_wait3A_118 = arith.constant 0 : i32
      %dma_wait3A_119 = tpu.memref_slice %arg2[%dma_wait3A_117, %dma_wait3A_118] : memref<10240x128xf32, #tpu.memory_space<hbm>> -> memref<10240x128xf32, #tpu.memory_space<hbm>>
      tpu.wait_indirect_dma semaphore(%arg15 : memref<!tpu.dma_semaphore, #tpu.memory_space<semaphore_mem>>) src(%dma_wait3A_119 : memref<10240x128xf32, #tpu.memory_space<hbm>>) dst(%arg10 : memref<128x128xf32, #tpu.memory_space<vmem>>)
      %dma_start3A_120 = arith.constant 0 : i32
      %dma_start3A_121 = arith.constant 0 : i32
      %dma_start3A_122 = tpu.memref_slice %arg12[%dma_start3A_120, %dma_start3A_121] : memref<10240x128xf32, #tpu.memory_space<vmem_shared>> -> memref<10240x128xf32, #tpu.memory_space<vmem_shared>>
      tpu.enqueue_indirect_dma source(%arg10 : memref<128x128xf32, #tpu.memory_space<vmem>>) target(%dma_start3A_122 : memref<10240x128xf32, #tpu.memory_space<vmem_shared>>) offsets(%arg8 : memref<128xi32, #tpu.memory_space<vmem>>) semaphore(%arg17 : memref<!tpu.dma_semaphore, #tpu.memory_space<semaphore_mem>>) {add = true}
      %add3A_123 = arith.constant 2 : i32
      %add3A_124 = arith.addi %mul3A_101, %add3A_123 : i32
      %lt3A = arith.constant 80 : i32
      %lt3A_125 = arith.cmpi slt, %add3A_124, %lt3A : i32
      %convert_element_type3A_126 = arith.extui %lt3A_125 : i1 to i32
      %cond3A_127 = arith.constant 0 : i32
      %cond3A_128 = arith.cmpi ne, %convert_element_type3A_126, %cond3A_127 : i32
      scf.if %cond3A_128 {
        %add3A_153 = arith.constant 2 : i32
        %add3A_154 = arith.addi %mul3A_101, %add3A_153 : i32
        %mul3A_155 = arith.constant 128 : i32
        %mul3A_156 = arith.muli %add3A_154, %mul3A_155 : i32
        %add3A_157 = arith.addi %mul3A_2, %mul3A_156 : i32
        %dma_start3A_158 = tpu.memref_slice %arg3[%add3A_157] : memref<327680xi32, #tpu.memory_space<hbm>> -> memref<128xi32, #tpu.memory_space<hbm>>
        %dma_start3A_159 = tpu.memref_slice %arg3[%add3A_157] : memref<327680xi32, #tpu.memory_space<hbm>> -> memref<128xi32, #tpu.memory_space<hbm>>
        tpu.enqueue_dma source(%dma_start3A_159 : memref<128xi32, #tpu.memory_space<hbm>>) target(%arg6 : memref<128xi32, #tpu.memory_space<vmem>>) target_semaphore(%arg13 : memref<!tpu.dma_semaphore, #tpu.memory_space<semaphore_mem>>)
        %add3A_160 = arith.constant 2 : i32
        %add3A_161 = arith.addi %mul3A_101, %add3A_160 : i32
        %mul3A_162 = arith.constant 128 : i32
        %mul3A_163 = arith.muli %add3A_161, %mul3A_162 : i32
        %add3A_164 = arith.addi %mul3A_2, %mul3A_163 : i32
        %dma_start3A_165 = tpu.memref_slice %arg4[%add3A_164] : memref<327680xi32, #tpu.memory_space<hbm>> -> memref<128xi32, #tpu.memory_space<hbm>>
        %dma_start3A_166 = tpu.memref_slice %arg4[%add3A_164] : memref<327680xi32, #tpu.memory_space<hbm>> -> memref<128xi32, #tpu.memory_space<hbm>>
        tpu.enqueue_dma source(%dma_start3A_166 : memref<128xi32, #tpu.memory_space<hbm>>) target(%arg8 : memref<128xi32, #tpu.memory_space<vmem>>) target_semaphore(%arg13 : memref<!tpu.dma_semaphore, #tpu.memory_space<semaphore_mem>>)
      } else {
      }
      %dma_wait3A_129 = arith.constant 0 : i32
      %dma_wait3A_130 = arith.constant 0 : i32
      %dma_wait3A_131 = tpu.memref_slice %arg12[%dma_wait3A_129, %dma_wait3A_130] : memref<10240x128xf32, #tpu.memory_space<vmem_shared>> -> memref<10240x128xf32, #tpu.memory_space<vmem_shared>>
      tpu.wait_indirect_dma semaphore(%arg17 : memref<!tpu.dma_semaphore, #tpu.memory_space<semaphore_mem>>) src(%arg10 : memref<128x128xf32, #tpu.memory_space<vmem>>) dst(%dma_wait3A_131 : memref<10240x128xf32, #tpu.memory_space<vmem_shared>>)
      %add3A_132 = arith.constant 2 : i32
      %add3A_133 = arith.addi %mul3A_101, %add3A_132 : i32
      %lt3A_134 = arith.constant 80 : i32
      %lt3A_135 = arith.cmpi slt, %add3A_133, %lt3A_134 : i32
      %convert_element_type3A_136 = arith.extui %lt3A_135 : i1 to i32
      %cond3A_137 = arith.constant 0 : i32
      %cond3A_138 = arith.cmpi ne, %convert_element_type3A_136, %cond3A_137 : i32
      scf.if %cond3A_138 {
        %dma_wait3A_153 = arith.constant 0 : i32
        %dma_wait3A_154 = tpu.memref_slice %arg3[%dma_wait3A_153] : memref<327680xi32, #tpu.memory_space<hbm>> -> memref<128xi32, #tpu.memory_space<hbm>>
        %dma_wait3A_155 = arith.constant 0 : i32
        %dma_wait3A_156 = tpu.memref_slice %arg3[%dma_wait3A_155] : memref<327680xi32, #tpu.memory_space<hbm>> -> memref<128xi32, #tpu.memory_space<hbm>>
        tpu.wait_dma2 semaphore(%arg13 : memref<!tpu.dma_semaphore, #tpu.memory_space<semaphore_mem>>) src(%dma_wait3A_156 : memref<128xi32, #tpu.memory_space<hbm>>) dst(%arg6 : memref<128xi32, #tpu.memory_space<vmem>>)
        %dma_wait3A_157 = arith.constant 0 : i32
        %dma_wait3A_158 = tpu.memref_slice %arg3[%dma_wait3A_157] : memref<327680xi32, #tpu.memory_space<hbm>> -> memref<128xi32, #tpu.memory_space<hbm>>
        %dma_wait3A_159 = arith.constant 0 : i32
        %dma_wait3A_160 = tpu.memref_slice %arg3[%dma_wait3A_159] : memref<327680xi32, #tpu.memory_space<hbm>> -> memref<128xi32, #tpu.memory_space<hbm>>
        tpu.wait_dma2 semaphore(%arg13 : memref<!tpu.dma_semaphore, #tpu.memory_space<semaphore_mem>>) src(%dma_wait3A_160 : memref<128xi32, #tpu.memory_space<hbm>>) dst(%arg8 : memref<128xi32, #tpu.memory_space<vmem>>)
        %dma_start3A_161 = arith.constant 0 : i32
        %dma_start3A_162 = arith.constant 0 : i32
        %dma_start3A_163 = tpu.memref_slice %arg2[%dma_start3A_161, %dma_start3A_162] : memref<10240x128xf32, #tpu.memory_space<hbm>> -> memref<10240x128xf32, #tpu.memory_space<hbm>>
        tpu.enqueue_indirect_dma source(%dma_start3A_163 : memref<10240x128xf32, #tpu.memory_space<hbm>>) target(%arg10 : memref<128x128xf32, #tpu.memory_space<vmem>>) offsets(%arg6 : memref<128xi32, #tpu.memory_space<vmem>>) semaphore(%arg15 : memref<!tpu.dma_semaphore, #tpu.memory_space<semaphore_mem>>)
      } else {
      }
      %dma_wait3A_139 = arith.constant 0 : i32
      %dma_wait3A_140 = arith.constant 0 : i32
      %dma_wait3A_141 = tpu.memref_slice %arg2[%dma_wait3A_139, %dma_wait3A_140] : memref<10240x128xf32, #tpu.memory_space<hbm>> -> memref<10240x128xf32, #tpu.memory_space<hbm>>
      tpu.wait_indirect_dma semaphore(%arg16 : memref<!tpu.dma_semaphore, #tpu.memory_space<semaphore_mem>>) src(%dma_wait3A_141 : memref<10240x128xf32, #tpu.memory_space<hbm>>) dst(%arg11 : memref<128x128xf32, #tpu.memory_space<vmem>>)
      %dma_start3A_142 = arith.constant 0 : i32
      %dma_start3A_143 = arith.constant 0 : i32
      %dma_start3A_144 = tpu.memref_slice %arg12[%dma_start3A_142, %dma_start3A_143] : memref<10240x128xf32, #tpu.memory_space<vmem_shared>> -> memref<10240x128xf32, #tpu.memory_space<vmem_shared>>
      tpu.enqueue_indirect_dma source(%arg11 : memref<128x128xf32, #tpu.memory_space<vmem>>) target(%dma_start3A_144 : memref<10240x128xf32, #tpu.memory_space<vmem_shared>>) offsets(%arg9 : memref<128xi32, #tpu.memory_space<vmem>>) semaphore(%arg18 : memref<!tpu.dma_semaphore, #tpu.memory_space<semaphore_mem>>) {add = true}
      %add3A_145 = arith.constant 2 : i32
      %add3A_146 = arith.addi %add3A_103, %add3A_145 : i32
      %lt3A_147 = arith.constant 80 : i32
      %lt3A_148 = arith.cmpi slt, %add3A_146, %lt3A_147 : i32
      %convert_element_type3A_149 = arith.extui %lt3A_148 : i1 to i32
      %cond3A_150 = arith.constant 0 : i32
      %cond3A_151 = arith.cmpi ne, %convert_element_type3A_149, %cond3A_150 : i32
      scf.if %cond3A_151 {
        %add3A_153 = arith.constant 2 : i32
        %add3A_154 = arith.addi %add3A_103, %add3A_153 : i32
        %mul3A_155 = arith.constant 128 : i32
        %mul3A_156 = arith.muli %add3A_154, %mul3A_155 : i32
        %add3A_157 = arith.addi %mul3A_2, %mul3A_156 : i32
        %dma_start3A_158 = tpu.memref_slice %arg3[%add3A_157] : memref<327680xi32, #tpu.memory_space<hbm>> -> memref<128xi32, #tpu.memory_space<hbm>>
        %dma_start3A_159 = tpu.memref_slice %arg3[%add3A_157] : memref<327680xi32, #tpu.memory_space<hbm>> -> memref<128xi32, #tpu.memory_space<hbm>>
        tpu.enqueue_dma source(%dma_start3A_159 : memref<128xi32, #tpu.memory_space<hbm>>) target(%arg7 : memref<128xi32, #tpu.memory_space<vmem>>) target_semaphore(%arg14 : memref<!tpu.dma_semaphore, #tpu.memory_space<semaphore_mem>>)
        %add3A_160 = arith.constant 2 : i32
        %add3A_161 = arith.addi %add3A_103, %add3A_160 : i32
        %mul3A_162 = arith.constant 128 : i32
        %mul3A_163 = arith.muli %add3A_161, %mul3A_162 : i32
        %add3A_164 = arith.addi %mul3A_2, %mul3A_163 : i32
        %dma_start3A_165 = tpu.memref_slice %arg4[%add3A_164] : memref<327680xi32, #tpu.memory_space<hbm>> -> memref<128xi32, #tpu.memory_space<hbm>>
        %dma_start3A_166 = tpu.memref_slice %arg4[%add3A_164] : memref<327680xi32, #tpu.memory_space<hbm>> -> memref<128xi32, #tpu.memory_space<hbm>>
        tpu.enqueue_dma source(%dma_start3A_166 : memref<128xi32, #tpu.memory_space<hbm>>) target(%arg9 : memref<128xi32, #tpu.memory_space<vmem>>) target_semaphore(%arg14 : memref<!tpu.dma_semaphore, #tpu.memory_space<semaphore_mem>>)
      } else {
      }
      %scan3A_152 = arith.constant 0 : i32
      scf.yield %scan3A_152 : i32
    }
    %scan3A_93 = arith.constant 40 : i32
    %dma_wait3A_94 = arith.constant 0 : i32
    %dma_wait3A_95 = arith.constant 0 : i32
    %dma_wait3A_96 = tpu.memref_slice %arg12[%dma_wait3A_94, %dma_wait3A_95] : memref<10240x128xf32, #tpu.memory_space<vmem_shared>> -> memref<10240x128xf32, #tpu.memory_space<vmem_shared>>
    tpu.wait_indirect_dma semaphore(%arg18 : memref<!tpu.dma_semaphore, #tpu.memory_space<semaphore_mem>>) src(%arg11 : memref<128x128xf32, #tpu.memory_space<vmem>>) dst(%dma_wait3A_96 : memref<10240x128xf32, #tpu.memory_space<vmem_shared>>)
    %barrier3A_97 = arith.constant 0 : index
    tpu.barrier barrier_id(%barrier3A_97)
    "tpu.region"() ({
      %run_scoped3A = tpu.sem_alloc : memref<!tpu.dma_semaphore, #tpu.memory_space<semaphore_mem>>
      %dma_start3A_98 = arith.constant 0 : i32
      %dma_start3A_99 = tpu.memref_slice %arg5[%arg0, %mul3A_11, %dma_start3A_98] : memref<2x10240x128xf32, #tpu.memory_space<hbm>> -> memref<1x640x128xf32, #tpu.memory_space<hbm>>
      %dma_start3A_100 = tpu.memref_squeeze %dma_start3A_99 : memref<1x640x128xf32, #tpu.memory_space<hbm>> -> memref<640x128xf32, #tpu.memory_space<hbm>>
      %dma_start3A_101 = arith.constant 0 : i32
      %dma_start3A_102 = tpu.memref_slice %arg12[%mul3A_11, %dma_start3A_101] : memref<10240x128xf32, #tpu.memory_space<vmem_shared>> -> memref<640x128xf32, #tpu.memory_space<vmem_shared>>
      tpu.enqueue_dma source(%dma_start3A_102 : memref<640x128xf32, #tpu.memory_space<vmem_shared>>) target(%dma_start3A_100 : memref<640x128xf32, #tpu.memory_space<hbm>>) target_semaphore(%run_scoped3A : memref<!tpu.dma_semaphore, #tpu.memory_space<semaphore_mem>>)
      %dma_wait3A_103 = arith.constant 0 : i32
      %dma_wait3A_104 = tpu.memref_slice %arg5[%arg0, %mul3A_11, %dma_wait3A_103] : memref<2x10240x128xf32, #tpu.memory_space<hbm>> -> memref<1x640x128xf32, #tpu.memory_space<hbm>>
      %dma_wait3A_105 = tpu.memref_squeeze %dma_wait3A_104 : memref<1x640x128xf32, #tpu.memory_space<hbm>> -> memref<640x128xf32, #tpu.memory_space<hbm>>
      %dma_wait3A_106 = arith.constant 0 : i32
      %dma_wait3A_107 = tpu.memref_slice %arg12[%mul3A_11, %dma_wait3A_106] : memref<10240x128xf32, #tpu.memory_space<vmem_shared>> -> memref<640x128xf32, #tpu.memory_space<vmem_shared>>
      tpu.wait_dma2 semaphore(%run_scoped3A : memref<!tpu.dma_semaphore, #tpu.memory_space<semaphore_mem>>) src(%dma_wait3A_107 : memref<640x128xf32, #tpu.memory_space<vmem_shared>>) dst(%dma_wait3A_105 : memref<640x128xf32, #tpu.memory_space<hbm>>)
      tpu.yield
    }) : () -> ()
    return
  }
}

#map = affine_map<(d0, d1) -> (0, 0)>
#map1 = affine_map<(d0, d1) -> (0)>
#map2 = affine_map<(d0, d1) -> (0, 0, 0)>
module attributes {stable_mosaic.version = 14 : i64} {
  func.func @agg(%arg0: i32, %arg1: i32, %arg2: memref<10000x128xf32, #tpu.memory_space<hbm>>, %arg3: memref<327680xi32, #tpu.memory_space<hbm>>, %arg4: memref<327680xi32, #tpu.memory_space<hbm>>, %arg5: memref<2x10240x128xf32, #tpu.memory_space<hbm>>, %arg6: memref<128xi32, #tpu.memory_space<vmem>>, %arg7: memref<128xi32, #tpu.memory_space<vmem>>, %arg8: memref<128xi32, #tpu.memory_space<vmem>>, %arg9: memref<128xi32, #tpu.memory_space<vmem>>, %arg10: memref<128x128xf32, #tpu.memory_space<vmem>>, %arg11: memref<128x128xf32, #tpu.memory_space<vmem>>, %arg12: memref<10240x128xf32, #tpu.memory_space<vmem_shared>>, %arg13: memref<!tpu.dma_semaphore, #tpu.memory_space<semaphore_mem>>, %arg14: memref<!tpu.dma_semaphore, #tpu.memory_space<semaphore_mem>>, %arg15: memref<!tpu.dma_semaphore, #tpu.memory_space<semaphore_mem>>, %arg16: memref<!tpu.dma_semaphore, #tpu.memory_space<semaphore_mem>>, %arg17: memref<!tpu.dma_semaphore, #tpu.memory_space<semaphore_mem>>, %arg18: memref<!tpu.dma_semaphore, #tpu.memory_space<semaphore_mem>>) attributes {dimension_semantics = [#tpu.dimension_semantics<core_parallel>, #tpu.dimension_semantics<subcore_parallel>], iteration_bounds = array<i64: 2, 16>, scalar_prefetch = 0 : i64, scratch_operands = 13 : i64, tpu.core_type = #tpu.core_type<sc_vector_subcore>, window_params = [{transform_indices = #map}, {transform_indices = #map1}, {transform_indices = #map1}, {transform_indices = #map2}]} {
    %mul3A = arith.constant 16 : i32
    %mul3A_0 = arith.muli %arg0, %mul3A : i32
    %add3A = arith.addi %mul3A_0, %arg1 : i32
    %mul3A_1 = arith.constant 10240 : i32
    %mul3A_2 = arith.muli %add3A, %mul3A_1 : i32
    %broadcast_in_dim3A = arith.constant 0.000000e+00 : f32
    %broadcast_in_dim3A_3 = vector.broadcast %broadcast_in_dim3A : f32 to vector<16xf32>
    %scan3A = arith.constant 0 : i32
    %scan3A_4 = arith.constant 0 : i32
    %scan3A_5 = arith.constant 128 : i32
    %scan3A_6 = arith.addi %scan3A_4, %scan3A_5 : i32
    %scan3A_7 = arith.constant 1 : i32
    %scan3A_8 = scf.for %scan3A_98 = %scan3A_4 to %scan3A_6 step %scan3A_7 iter_args(%scan3A_99 = %scan3A) -> (i32)  : i32 {
      %swap3A = arith.index_cast %scan3A_98 : i32 to index
      %swap3A_100 = arith.constant 0 : index
      %swap3A_101 = tpu.vector_load %arg10[%swap3A, %swap3A_100] {strides = array<i32>} : memref<128x128xf32, #tpu.memory_space<vmem>>, vector<1x16xf32>,
      %swap3A_102 = vector.shape_cast %swap3A_101 : vector<1x16xf32> to vector<16xf32>
      %swap3A_103 = vector.shape_cast %broadcast_in_dim3A_3 : vector<16xf32> to vector<1x16xf32>
      tpu.vector_store %arg10[%swap3A, %swap3A_100], %swap3A_103 {strides = array<i32>} : memref<128x128xf32, #tpu.memory_space<vmem>>, vector<1x16xf32>,
      %swap3A_104 = arith.index_cast %scan3A_98 : i32 to index
      %swap3A_105 = arith.constant 16 : index
      %swap3A_106 = tpu.vector_load %arg10[%swap3A_104, %swap3A_105] {strides = array<i32>} : memref<128x128xf32, #tpu.memory_space<vmem>>, vector<1x16xf32>,
      %swap3A_107 = vector.shape_cast %swap3A_106 : vector<1x16xf32> to vector<16xf32>
      %swap3A_108 = vector.shape_cast %broadcast_in_dim3A_3 : vector<16xf32> to vector<1x16xf32>
      tpu.vector_store %arg10[%swap3A_104, %swap3A_105], %swap3A_108 {strides = array<i32>} : memref<128x128xf32, #tpu.memory_space<vmem>>, vector<1x16xf32>,
      %swap3A_109 = arith.index_cast %scan3A_98 : i32 to index
      %swap3A_110 = arith.constant 32 : index
      %swap3A_111 = tpu.vector_load %arg10[%swap3A_109, %swap3A_110] {strides = array<i32>} : memref<128x128xf32, #tpu.memory_space<vmem>>, vector<1x16xf32>,
      %swap3A_112 = vector.shape_cast %swap3A_111 : vector<1x16xf32> to vector<16xf32>
      %swap3A_113 = vector.shape_cast %broadcast_in_dim3A_3 : vector<16xf32> to vector<1x16xf32>
      tpu.vector_store %arg10[%swap3A_109, %swap3A_110], %swap3A_113 {strides = array<i32>} : memref<128x128xf32, #tpu.memory_space<vmem>>, vector<1x16xf32>,
      %swap3A_114 = arith.index_cast %scan3A_98 : i32 to index
      %swap3A_115 = arith.constant 48 : index
      %swap3A_116 = tpu.vector_load %arg10[%swap3A_114, %swap3A_115] {strides = array<i32>} : memref<128x128xf32, #tpu.memory_space<vmem>>, vector<1x16xf32>,
      %swap3A_117 = vector.shape_cast %swap3A_116 : vector<1x16xf32> to vector<16xf32>
      %swap3A_118 = vector.shape_cast %broadcast_in_dim3A_3 : vector<16xf32> to vector<1x16xf32>
      tpu.vector_store %arg10[%swap3A_114, %swap3A_115], %swap3A_118 {strides = array<i32>} : memref<128x128xf32, #tpu.memory_space<vmem>>, vector<1x16xf32>,
      %swap3A_119 = arith.index_cast %scan3A_98 : i32 to index
      %swap3A_120 = arith.constant 64 : index
      %swap3A_121 = tpu.vector_load %arg10[%swap3A_119, %swap3A_120] {strides = array<i32>} : memref<128x128xf32, #tpu.memory_space<vmem>>, vector<1x16xf32>,
      %swap3A_122 = vector.shape_cast %swap3A_121 : vector<1x16xf32> to vector<16xf32>
      %swap3A_123 = vector.shape_cast %broadcast_in_dim3A_3 : vector<16xf32> to vector<1x16xf32>
      tpu.vector_store %arg10[%swap3A_119, %swap3A_120], %swap3A_123 {strides = array<i32>} : memref<128x128xf32, #tpu.memory_space<vmem>>, vector<1x16xf32>,
      %swap3A_124 = arith.index_cast %scan3A_98 : i32 to index
      %swap3A_125 = arith.constant 80 : index
      %swap3A_126 = tpu.vector_load %arg10[%swap3A_124, %swap3A_125] {strides = array<i32>} : memref<128x128xf32, #tpu.memory_space<vmem>>, vector<1x16xf32>,
      %swap3A_127 = vector.shape_cast %swap3A_126 : vector<1x16xf32> to vector<16xf32>
      %swap3A_128 = vector.shape_cast %broadcast_in_dim3A_3 : vector<16xf32> to vector<1x16xf32>
      tpu.vector_store %arg10[%swap3A_124, %swap3A_125], %swap3A_128 {strides = array<i32>} : memref<128x128xf32, #tpu.memory_space<vmem>>, vector<1x16xf32>,
      %swap3A_129 = arith.index_cast %scan3A_98 : i32 to index
      %swap3A_130 = arith.constant 96 : index
      %swap3A_131 = tpu.vector_load %arg10[%swap3A_129, %swap3A_130] {strides = array<i32>} : memref<128x128xf32, #tpu.memory_space<vmem>>, vector<1x16xf32>,
      %swap3A_132 = vector.shape_cast %swap3A_131 : vector<1x16xf32> to vector<16xf32>
      %swap3A_133 = vector.shape_cast %broadcast_in_dim3A_3 : vector<16xf32> to vector<1x16xf32>
      tpu.vector_store %arg10[%swap3A_129, %swap3A_130], %swap3A_133 {strides = array<i32>} : memref<128x128xf32, #tpu.memory_space<vmem>>, vector<1x16xf32>,
      %swap3A_134 = arith.index_cast %scan3A_98 : i32 to index
      %swap3A_135 = arith.constant 112 : index
      %swap3A_136 = tpu.vector_load %arg10[%swap3A_134, %swap3A_135] {strides = array<i32>} : memref<128x128xf32, #tpu.memory_space<vmem>>, vector<1x16xf32>,
      %swap3A_137 = vector.shape_cast %swap3A_136 : vector<1x16xf32> to vector<16xf32>
      %swap3A_138 = vector.shape_cast %broadcast_in_dim3A_3 : vector<16xf32> to vector<1x16xf32>
      tpu.vector_store %arg10[%swap3A_134, %swap3A_135], %swap3A_138 {strides = array<i32>} : memref<128x128xf32, #tpu.memory_space<vmem>>, vector<1x16xf32>,
      %scan3A_139 = arith.constant 0 : i32
      scf.yield %scan3A_139 : i32
    }
    %scan3A_9 = arith.constant 128 : i32
    %mul3A_10 = arith.constant 640 : i32
    %mul3A_11 = arith.muli %arg1, %mul3A_10 : i32
    %add3A_12 = arith.constant 0 : i32
    %add3A_13 = arith.addi %mul3A_11, %add3A_12 : i32
    %dma_start3A = arith.constant 0 : i32
    %dma_start3A_14 = tpu.memref_slice %arg12[%add3A_13, %dma_start3A] : memref<10240x128xf32, #tpu.memory_space<vmem_shared>> -> memref<128x128xf32, #tpu.memory_space<vmem_shared>>
    %dma_start3A_15 = arith.constant 0 : i32
    %dma_start3A_16 = tpu.memref_slice %arg12[%add3A_13, %dma_start3A_15] : memref<10240x128xf32, #tpu.memory_space<vmem_shared>> -> memref<128x128xf32, #tpu.memory_space<vmem_shared>>
    tpu.enqueue_dma source(%arg10 : memref<128x128xf32, #tpu.memory_space<vmem>>) target(%dma_start3A_16 : memref<128x128xf32, #tpu.memory_space<vmem_shared>>) target_semaphore(%arg15 : memref<!tpu.dma_semaphore, #tpu.memory_space<semaphore_mem>>)
    %add3A_17 = arith.constant 128 : i32
    %add3A_18 = arith.addi %mul3A_11, %add3A_17 : i32
    %dma_start3A_19 = arith.constant 0 : i32
    %dma_start3A_20 = tpu.memref_slice %arg12[%add3A_18, %dma_start3A_19] : memref<10240x128xf32, #tpu.memory_space<vmem_shared>> -> memref<128x128xf32, #tpu.memory_space<vmem_shared>>
    %dma_start3A_21 = arith.constant 0 : i32
    %dma_start3A_22 = tpu.memref_slice %arg12[%add3A_18, %dma_start3A_21] : memref<10240x128xf32, #tpu.memory_space<vmem_shared>> -> memref<128x128xf32, #tpu.memory_space<vmem_shared>>
    tpu.enqueue_dma source(%arg10 : memref<128x128xf32, #tpu.memory_space<vmem>>) target(%dma_start3A_22 : memref<128x128xf32, #tpu.memory_space<vmem_shared>>) target_semaphore(%arg15 : memref<!tpu.dma_semaphore, #tpu.memory_space<semaphore_mem>>)
    %add3A_23 = arith.constant 256 : i32
    %add3A_24 = arith.addi %mul3A_11, %add3A_23 : i32
    %dma_start3A_25 = arith.constant 0 : i32
    %dma_start3A_26 = tpu.memref_slice %arg12[%add3A_24, %dma_start3A_25] : memref<10240x128xf32, #tpu.memory_space<vmem_shared>> -> memref<128x128xf32, #tpu.memory_space<vmem_shared>>
    %dma_start3A_27 = arith.constant 0 : i32
    %dma_start3A_28 = tpu.memref_slice %arg12[%add3A_24, %dma_start3A_27] : memref<10240x128xf32, #tpu.memory_space<vmem_shared>> -> memref<128x128xf32, #tpu.memory_space<vmem_shared>>
    tpu.enqueue_dma source(%arg10 : memref<128x128xf32, #tpu.memory_space<vmem>>) target(%dma_start3A_28 : memref<128x128xf32, #tpu.memory_space<vmem_shared>>) target_semaphore(%arg15 : memref<!tpu.dma_semaphore, #tpu.memory_space<semaphore_mem>>)
    %add3A_29 = arith.constant 384 : i32
    %add3A_30 = arith.addi %mul3A_11, %add3A_29 : i32
    %dma_start3A_31 = arith.constant 0 : i32
    %dma_start3A_32 = tpu.memref_slice %arg12[%add3A_30, %dma_start3A_31] : memref<10240x128xf32, #tpu.memory_space<vmem_shared>> -> memref<128x128xf32, #tpu.memory_space<vmem_shared>>
    %dma_start3A_33 = arith.constant 0 : i32
    %dma_start3A_34 = tpu.memref_slice %arg12[%add3A_30, %dma_start3A_33] : memref<10240x128xf32, #tpu.memory_space<vmem_shared>> -> memref<128x128xf32, #tpu.memory_space<vmem_shared>>
    tpu.enqueue_dma source(%arg10 : memref<128x128xf32, #tpu.memory_space<vmem>>) target(%dma_start3A_34 : memref<128x128xf32, #tpu.memory_space<vmem_shared>>) target_semaphore(%arg15 : memref<!tpu.dma_semaphore, #tpu.memory_space<semaphore_mem>>)
    %add3A_35 = arith.constant 512 : i32
    %add3A_36 = arith.addi %mul3A_11, %add3A_35 : i32
    %dma_start3A_37 = arith.constant 0 : i32
    %dma_start3A_38 = tpu.memref_slice %arg12[%add3A_36, %dma_start3A_37] : memref<10240x128xf32, #tpu.memory_space<vmem_shared>> -> memref<128x128xf32, #tpu.memory_space<vmem_shared>>
    %dma_start3A_39 = arith.constant 0 : i32
    %dma_start3A_40 = tpu.memref_slice %arg12[%add3A_36, %dma_start3A_39] : memref<10240x128xf32, #tpu.memory_space<vmem_shared>> -> memref<128x128xf32, #tpu.memory_space<vmem_shared>>
    tpu.enqueue_dma source(%arg10 : memref<128x128xf32, #tpu.memory_space<vmem>>) target(%dma_start3A_40 : memref<128x128xf32, #tpu.memory_space<vmem_shared>>) target_semaphore(%arg15 : memref<!tpu.dma_semaphore, #tpu.memory_space<semaphore_mem>>)
    %dma_wait3A = arith.constant 0 : i32
    %dma_wait3A_41 = tpu.memref_slice %arg12[%mul3A_11, %dma_wait3A] : memref<10240x128xf32, #tpu.memory_space<vmem_shared>> -> memref<128x128xf32, #tpu.memory_space<vmem_shared>>
    %dma_wait3A_42 = arith.constant 0 : i32
    %dma_wait3A_43 = tpu.memref_slice %arg12[%mul3A_11, %dma_wait3A_42] : memref<10240x128xf32, #tpu.memory_space<vmem_shared>> -> memref<128x128xf32, #tpu.memory_space<vmem_shared>>
    tpu.wait_dma2 semaphore(%arg15 : memref<!tpu.dma_semaphore, #tpu.memory_space<semaphore_mem>>) src(%arg10 : memref<128x128xf32, #tpu.memory_space<vmem>>) dst(%dma_wait3A_43 : memref<128x128xf32, #tpu.memory_space<vmem_shared>>)
    %dma_wait3A_44 = arith.constant 0 : i32
    %dma_wait3A_45 = tpu.memref_slice %arg12[%mul3A_11, %dma_wait3A_44] : memref<10240x128xf32, #tpu.memory_space<vmem_shared>> -> memref<128x128xf32, #tpu.memory_space<vmem_shared>>
    %dma_wait3A_46 = arith.constant 0 : i32
    %dma_wait3A_47 = tpu.memref_slice %arg12[%mul3A_11, %dma_wait3A_46] : memref<10240x128xf32, #tpu.memory_space<vmem_shared>> -> memref<128x128xf32, #tpu.memory_space<vmem_shared>>
    tpu.wait_dma2 semaphore(%arg15 : memref<!tpu.dma_semaphore, #tpu.memory_space<semaphore_mem>>) src(%arg10 : memref<128x128xf32, #tpu.memory_space<vmem>>) dst(%dma_wait3A_47 : memref<128x128xf32, #tpu.memory_space<vmem_shared>>)
    %dma_wait3A_48 = arith.constant 0 : i32
    %dma_wait3A_49 = tpu.memref_slice %arg12[%mul3A_11, %dma_wait3A_48] : memref<10240x128xf32, #tpu.memory_space<vmem_shared>> -> memref<128x128xf32, #tpu.memory_space<vmem_shared>>
    %dma_wait3A_50 = arith.constant 0 : i32
    %dma_wait3A_51 = tpu.memref_slice %arg12[%mul3A_11, %dma_wait3A_50] : memref<10240x128xf32, #tpu.memory_space<vmem_shared>> -> memref<128x128xf32, #tpu.memory_space<vmem_shared>>
    tpu.wait_dma2 semaphore(%arg15 : memref<!tpu.dma_semaphore, #tpu.memory_space<semaphore_mem>>) src(%arg10 : memref<128x128xf32, #tpu.memory_space<vmem>>) dst(%dma_wait3A_51 : memref<128x128xf32, #tpu.memory_space<vmem_shared>>)
    %dma_wait3A_52 = arith.constant 0 : i32
    %dma_wait3A_53 = tpu.memref_slice %arg12[%mul3A_11, %dma_wait3A_52] : memref<10240x128xf32, #tpu.memory_space<vmem_shared>> -> memref<128x128xf32, #tpu.memory_space<vmem_shared>>
    %dma_wait3A_54 = arith.constant 0 : i32
    %dma_wait3A_55 = tpu.memref_slice %arg12[%mul3A_11, %dma_wait3A_54] : memref<10240x128xf32, #tpu.memory_space<vmem_shared>> -> memref<128x128xf32, #tpu.memory_space<vmem_shared>>
    tpu.wait_dma2 semaphore(%arg15 : memref<!tpu.dma_semaphore, #tpu.memory_space<semaphore_mem>>) src(%arg10 : memref<128x128xf32, #tpu.memory_space<vmem>>) dst(%dma_wait3A_55 : memref<128x128xf32, #tpu.memory_space<vmem_shared>>)
    %dma_wait3A_56 = arith.constant 0 : i32
    %dma_wait3A_57 = tpu.memref_slice %arg12[%mul3A_11, %dma_wait3A_56] : memref<10240x128xf32, #tpu.memory_space<vmem_shared>> -> memref<128x128xf32, #tpu.memory_space<vmem_shared>>
    %dma_wait3A_58 = arith.constant 0 : i32
    %dma_wait3A_59 = tpu.memref_slice %arg12[%mul3A_11, %dma_wait3A_58] : memref<10240x128xf32, #tpu.memory_space<vmem_shared>> -> memref<128x128xf32, #tpu.memory_space<vmem_shared>>
    tpu.wait_dma2 semaphore(%arg15 : memref<!tpu.dma_semaphore, #tpu.memory_space<semaphore_mem>>) src(%arg10 : memref<128x128xf32, #tpu.memory_space<vmem>>) dst(%dma_wait3A_59 : memref<128x128xf32, #tpu.memory_space<vmem_shared>>)
    %barrier3A = arith.constant 0 : index
    tpu.barrier barrier_id(%barrier3A)
    %add3A_60 = arith.constant 0 : i32
    %add3A_61 = arith.addi %mul3A_2, %add3A_60 : i32
    %dma_start3A_62 = tpu.memref_slice %arg3[%add3A_61] : memref<327680xi32, #tpu.memory_space<hbm>> -> memref<128xi32, #tpu.memory_space<hbm>>
    %dma_start3A_63 = tpu.memref_slice %arg3[%add3A_61] : memref<327680xi32, #tpu.memory_space<hbm>> -> memref<128xi32, #tpu.memory_space<hbm>>
    tpu.enqueue_dma source(%dma_start3A_63 : memref<128xi32, #tpu.memory_space<hbm>>) target(%arg6 : memref<128xi32, #tpu.memory_space<vmem>>) target_semaphore(%arg13 : memref<!tpu.dma_semaphore, #tpu.memory_space<semaphore_mem>>)
    %add3A_64 = arith.constant 0 : i32
    %add3A_65 = arith.addi %mul3A_2, %add3A_64 : i32
    %dma_start3A_66 = tpu.memref_slice %arg4[%add3A_65] : memref<327680xi32, #tpu.memory_space<hbm>> -> memref<128xi32, #tpu.memory_space<hbm>>
    %dma_start3A_67 = tpu.memref_slice %arg4[%add3A_65] : memref<327680xi32, #tpu.memory_space<hbm>> -> memref<128xi32, #tpu.memory_space<hbm>>
    tpu.enqueue_dma source(%dma_start3A_67 : memref<128xi32, #tpu.memory_space<hbm>>) target(%arg8 : memref<128xi32, #tpu.memory_space<vmem>>) target_semaphore(%arg13 : memref<!tpu.dma_semaphore, #tpu.memory_space<semaphore_mem>>)
    %add3A_68 = arith.constant 128 : i32
    %add3A_69 = arith.addi %mul3A_2, %add3A_68 : i32
    %dma_start3A_70 = tpu.memref_slice %arg3[%add3A_69] : memref<327680xi32, #tpu.memory_space<hbm>> -> memref<128xi32, #tpu.memory_space<hbm>>
    %dma_start3A_71 = tpu.memref_slice %arg3[%add3A_69] : memref<327680xi32, #tpu.memory_space<hbm>> -> memref<128xi32, #tpu.memory_space<hbm>>
    tpu.enqueue_dma source(%dma_start3A_71 : memref<128xi32, #tpu.memory_space<hbm>>) target(%arg7 : memref<128xi32, #tpu.memory_space<vmem>>) target_semaphore(%arg14 : memref<!tpu.dma_semaphore, #tpu.memory_space<semaphore_mem>>)
    %add3A_72 = arith.constant 128 : i32
    %add3A_73 = arith.addi %mul3A_2, %add3A_72 : i32
    %dma_start3A_74 = tpu.memref_slice %arg4[%add3A_73] : memref<327680xi32, #tpu.memory_space<hbm>> -> memref<128xi32, #tpu.memory_space<hbm>>
    %dma_start3A_75 = tpu.memref_slice %arg4[%add3A_73] : memref<327680xi32, #tpu.memory_space<hbm>> -> memref<128xi32, #tpu.memory_space<hbm>>
    tpu.enqueue_dma source(%dma_start3A_75 : memref<128xi32, #tpu.memory_space<hbm>>) target(%arg9 : memref<128xi32, #tpu.memory_space<vmem>>) target_semaphore(%arg14 : memref<!tpu.dma_semaphore, #tpu.memory_space<semaphore_mem>>)
    %dma_wait3A_76 = arith.constant 0 : i32
    %dma_wait3A_77 = tpu.memref_slice %arg3[%dma_wait3A_76] : memref<327680xi32, #tpu.memory_space<hbm>> -> memref<128xi32, #tpu.memory_space<hbm>>
    %dma_wait3A_78 = arith.constant 0 : i32
    %dma_wait3A_79 = tpu.memref_slice %arg3[%dma_wait3A_78] : memref<327680xi32, #tpu.memory_space<hbm>> -> memref<128xi32, #tpu.memory_space<hbm>>
    tpu.wait_dma2 semaphore(%arg13 : memref<!tpu.dma_semaphore, #tpu.memory_space<semaphore_mem>>) src(%dma_wait3A_79 : memref<128xi32, #tpu.memory_space<hbm>>) dst(%arg6 : memref<128xi32, #tpu.memory_space<vmem>>)
    %dma_wait3A_80 = arith.constant 0 : i32
    %dma_wait3A_81 = tpu.memref_slice %arg3[%dma_wait3A_80] : memref<327680xi32, #tpu.memory_space<hbm>> -> memref<128xi32, #tpu.memory_space<hbm>>
    %dma_wait3A_82 = arith.constant 0 : i32
    %dma_wait3A_83 = tpu.memref_slice %arg3[%dma_wait3A_82] : memref<327680xi32, #tpu.memory_space<hbm>> -> memref<128xi32, #tpu.memory_space<hbm>>
    tpu.wait_dma2 semaphore(%arg13 : memref<!tpu.dma_semaphore, #tpu.memory_space<semaphore_mem>>) src(%dma_wait3A_83 : memref<128xi32, #tpu.memory_space<hbm>>) dst(%arg8 : memref<128xi32, #tpu.memory_space<vmem>>)
    %dma_start3A_84 = arith.constant 0 : i32
    %dma_start3A_85 = arith.constant 0 : i32
    %dma_start3A_86 = tpu.memref_slice %arg2[%dma_start3A_84, %dma_start3A_85] : memref<10000x128xf32, #tpu.memory_space<hbm>> -> memref<10000x128xf32, #tpu.memory_space<hbm>>
    tpu.enqueue_indirect_dma source(%dma_start3A_86 : memref<10000x128xf32, #tpu.memory_space<hbm>>) target(%arg10 : memref<128x128xf32, #tpu.memory_space<vmem>>) offsets(%arg6 : memref<128xi32, #tpu.memory_space<vmem>>) semaphore(%arg15 : memref<!tpu.dma_semaphore, #tpu.memory_space<semaphore_mem>>)
    %scan3A_87 = arith.constant 0 : i32
    %scan3A_88 = arith.constant 0 : i32
    %scan3A_89 = arith.constant 40 : i32
    %scan3A_90 = arith.addi %scan3A_88, %scan3A_89 : i32
    %scan3A_91 = arith.constant 1 : i32
    %scan3A_92 = scf.for %scan3A_98 = %scan3A_88 to %scan3A_90 step %scan3A_91 iter_args(%scan3A_99 = %scan3A_87) -> (i32)  : i32 {
      %mul3A_100 = arith.constant 2 : i32
      %mul3A_101 = arith.muli %mul3A_100, %scan3A_98 : i32
      %add3A_102 = arith.constant 1 : i32
      %add3A_103 = arith.addi %mul3A_101, %add3A_102 : i32
      %gt3A = arith.constant 0 : i32
      %gt3A_104 = arith.cmpi sgt, %scan3A_98, %gt3A : i32
      %convert_element_type3A = arith.extui %gt3A_104 : i1 to i32
      %cond3A = arith.constant 0 : i32
      %cond3A_105 = arith.cmpi ne, %convert_element_type3A, %cond3A : i32
      scf.if %cond3A_105 {
        %dma_wait3A_153 = arith.constant 0 : i32
        %dma_wait3A_154 = arith.constant 0 : i32
        %dma_wait3A_155 = tpu.memref_slice %arg12[%dma_wait3A_153, %dma_wait3A_154] : memref<10240x128xf32, #tpu.memory_space<vmem_shared>> -> memref<10240x128xf32, #tpu.memory_space<vmem_shared>>
        tpu.wait_indirect_dma semaphore(%arg18 : memref<!tpu.dma_semaphore, #tpu.memory_space<semaphore_mem>>) src(%arg11 : memref<128x128xf32, #tpu.memory_space<vmem>>) dst(%dma_wait3A_155 : memref<10240x128xf32, #tpu.memory_space<vmem_shared>>)
      } else {
      }
      %dma_wait3A_106 = arith.constant 0 : i32
      %dma_wait3A_107 = tpu.memref_slice %arg3[%dma_wait3A_106] : memref<327680xi32, #tpu.memory_space<hbm>> -> memref<128xi32, #tpu.memory_space<hbm>>
      %dma_wait3A_108 = arith.constant 0 : i32
      %dma_wait3A_109 = tpu.memref_slice %arg3[%dma_wait3A_108] : memref<327680xi32, #tpu.memory_space<hbm>> -> memref<128xi32, #tpu.memory_space<hbm>>
      tpu.wait_dma2 semaphore(%arg14 : memref<!tpu.dma_semaphore, #tpu.memory_space<semaphore_mem>>) src(%dma_wait3A_109 : memref<128xi32, #tpu.memory_space<hbm>>) dst(%arg7 : memref<128xi32, #tpu.memory_space<vmem>>)
      %dma_wait3A_110 = arith.constant 0 : i32
      %dma_wait3A_111 = tpu.memref_slice %arg3[%dma_wait3A_110] : memref<327680xi32, #tpu.memory_space<hbm>> -> memref<128xi32, #tpu.memory_space<hbm>>
      %dma_wait3A_112 = arith.constant 0 : i32
      %dma_wait3A_113 = tpu.memref_slice %arg3[%dma_wait3A_112] : memref<327680xi32, #tpu.memory_space<hbm>> -> memref<128xi32, #tpu.memory_space<hbm>>
      tpu.wait_dma2 semaphore(%arg14 : memref<!tpu.dma_semaphore, #tpu.memory_space<semaphore_mem>>) src(%dma_wait3A_113 : memref<128xi32, #tpu.memory_space<hbm>>) dst(%arg9 : memref<128xi32, #tpu.memory_space<vmem>>)
      %dma_start3A_114 = arith.constant 0 : i32
      %dma_start3A_115 = arith.constant 0 : i32
      %dma_start3A_116 = tpu.memref_slice %arg2[%dma_start3A_114, %dma_start3A_115] : memref<10000x128xf32, #tpu.memory_space<hbm>> -> memref<10000x128xf32, #tpu.memory_space<hbm>>
      tpu.enqueue_indirect_dma source(%dma_start3A_116 : memref<10000x128xf32, #tpu.memory_space<hbm>>) target(%arg11 : memref<128x128xf32, #tpu.memory_space<vmem>>) offsets(%arg7 : memref<128xi32, #tpu.memory_space<vmem>>) semaphore(%arg16 : memref<!tpu.dma_semaphore, #tpu.memory_space<semaphore_mem>>)
      %dma_wait3A_117 = arith.constant 0 : i32
      %dma_wait3A_118 = arith.constant 0 : i32
      %dma_wait3A_119 = tpu.memref_slice %arg2[%dma_wait3A_117, %dma_wait3A_118] : memref<10000x128xf32, #tpu.memory_space<hbm>> -> memref<10000x128xf32, #tpu.memory_space<hbm>>
      tpu.wait_indirect_dma semaphore(%arg15 : memref<!tpu.dma_semaphore, #tpu.memory_space<semaphore_mem>>) src(%dma_wait3A_119 : memref<10000x128xf32, #tpu.memory_space<hbm>>) dst(%arg10 : memref<128x128xf32, #tpu.memory_space<vmem>>)
      %dma_start3A_120 = arith.constant 0 : i32
      %dma_start3A_121 = arith.constant 0 : i32
      %dma_start3A_122 = tpu.memref_slice %arg12[%dma_start3A_120, %dma_start3A_121] : memref<10240x128xf32, #tpu.memory_space<vmem_shared>> -> memref<10240x128xf32, #tpu.memory_space<vmem_shared>>
      tpu.enqueue_indirect_dma source(%arg10 : memref<128x128xf32, #tpu.memory_space<vmem>>) target(%dma_start3A_122 : memref<10240x128xf32, #tpu.memory_space<vmem_shared>>) offsets(%arg8 : memref<128xi32, #tpu.memory_space<vmem>>) semaphore(%arg17 : memref<!tpu.dma_semaphore, #tpu.memory_space<semaphore_mem>>) {add = true}
      %add3A_123 = arith.constant 2 : i32
      %add3A_124 = arith.addi %mul3A_101, %add3A_123 : i32
      %lt3A = arith.constant 80 : i32
      %lt3A_125 = arith.cmpi slt, %add3A_124, %lt3A : i32
      %convert_element_type3A_126 = arith.extui %lt3A_125 : i1 to i32
      %cond3A_127 = arith.constant 0 : i32
      %cond3A_128 = arith.cmpi ne, %convert_element_type3A_126, %cond3A_127 : i32
      scf.if %cond3A_128 {
        %add3A_153 = arith.constant 2 : i32
        %add3A_154 = arith.addi %mul3A_101, %add3A_153 : i32
        %mul3A_155 = arith.constant 128 : i32
        %mul3A_156 = arith.muli %add3A_154, %mul3A_155 : i32
        %add3A_157 = arith.addi %mul3A_2, %mul3A_156 : i32
        %dma_start3A_158 = tpu.memref_slice %arg3[%add3A_157] : memref<327680xi32, #tpu.memory_space<hbm>> -> memref<128xi32, #tpu.memory_space<hbm>>
        %dma_start3A_159 = tpu.memref_slice %arg3[%add3A_157] : memref<327680xi32, #tpu.memory_space<hbm>> -> memref<128xi32, #tpu.memory_space<hbm>>
        tpu.enqueue_dma source(%dma_start3A_159 : memref<128xi32, #tpu.memory_space<hbm>>) target(%arg6 : memref<128xi32, #tpu.memory_space<vmem>>) target_semaphore(%arg13 : memref<!tpu.dma_semaphore, #tpu.memory_space<semaphore_mem>>)
        %add3A_160 = arith.constant 2 : i32
        %add3A_161 = arith.addi %mul3A_101, %add3A_160 : i32
        %mul3A_162 = arith.constant 128 : i32
        %mul3A_163 = arith.muli %add3A_161, %mul3A_162 : i32
        %add3A_164 = arith.addi %mul3A_2, %mul3A_163 : i32
        %dma_start3A_165 = tpu.memref_slice %arg4[%add3A_164] : memref<327680xi32, #tpu.memory_space<hbm>> -> memref<128xi32, #tpu.memory_space<hbm>>
        %dma_start3A_166 = tpu.memref_slice %arg4[%add3A_164] : memref<327680xi32, #tpu.memory_space<hbm>> -> memref<128xi32, #tpu.memory_space<hbm>>
        tpu.enqueue_dma source(%dma_start3A_166 : memref<128xi32, #tpu.memory_space<hbm>>) target(%arg8 : memref<128xi32, #tpu.memory_space<vmem>>) target_semaphore(%arg13 : memref<!tpu.dma_semaphore, #tpu.memory_space<semaphore_mem>>)
      } else {
      }
      %dma_wait3A_129 = arith.constant 0 : i32
      %dma_wait3A_130 = arith.constant 0 : i32
      %dma_wait3A_131 = tpu.memref_slice %arg12[%dma_wait3A_129, %dma_wait3A_130] : memref<10240x128xf32, #tpu.memory_space<vmem_shared>> -> memref<10240x128xf32, #tpu.memory_space<vmem_shared>>
      tpu.wait_indirect_dma semaphore(%arg17 : memref<!tpu.dma_semaphore, #tpu.memory_space<semaphore_mem>>) src(%arg10 : memref<128x128xf32, #tpu.memory_space<vmem>>) dst(%dma_wait3A_131 : memref<10240x128xf32, #tpu.memory_space<vmem_shared>>)
      %add3A_132 = arith.constant 2 : i32
      %add3A_133 = arith.addi %mul3A_101, %add3A_132 : i32
      %lt3A_134 = arith.constant 80 : i32
      %lt3A_135 = arith.cmpi slt, %add3A_133, %lt3A_134 : i32
      %convert_element_type3A_136 = arith.extui %lt3A_135 : i1 to i32
      %cond3A_137 = arith.constant 0 : i32
      %cond3A_138 = arith.cmpi ne, %convert_element_type3A_136, %cond3A_137 : i32
      scf.if %cond3A_138 {
        %dma_wait3A_153 = arith.constant 0 : i32
        %dma_wait3A_154 = tpu.memref_slice %arg3[%dma_wait3A_153] : memref<327680xi32, #tpu.memory_space<hbm>> -> memref<128xi32, #tpu.memory_space<hbm>>
        %dma_wait3A_155 = arith.constant 0 : i32
        %dma_wait3A_156 = tpu.memref_slice %arg3[%dma_wait3A_155] : memref<327680xi32, #tpu.memory_space<hbm>> -> memref<128xi32, #tpu.memory_space<hbm>>
        tpu.wait_dma2 semaphore(%arg13 : memref<!tpu.dma_semaphore, #tpu.memory_space<semaphore_mem>>) src(%dma_wait3A_156 : memref<128xi32, #tpu.memory_space<hbm>>) dst(%arg6 : memref<128xi32, #tpu.memory_space<vmem>>)
        %dma_wait3A_157 = arith.constant 0 : i32
        %dma_wait3A_158 = tpu.memref_slice %arg3[%dma_wait3A_157] : memref<327680xi32, #tpu.memory_space<hbm>> -> memref<128xi32, #tpu.memory_space<hbm>>
        %dma_wait3A_159 = arith.constant 0 : i32
        %dma_wait3A_160 = tpu.memref_slice %arg3[%dma_wait3A_159] : memref<327680xi32, #tpu.memory_space<hbm>> -> memref<128xi32, #tpu.memory_space<hbm>>
        tpu.wait_dma2 semaphore(%arg13 : memref<!tpu.dma_semaphore, #tpu.memory_space<semaphore_mem>>) src(%dma_wait3A_160 : memref<128xi32, #tpu.memory_space<hbm>>) dst(%arg8 : memref<128xi32, #tpu.memory_space<vmem>>)
        %dma_start3A_161 = arith.constant 0 : i32
        %dma_start3A_162 = arith.constant 0 : i32
        %dma_start3A_163 = tpu.memref_slice %arg2[%dma_start3A_161, %dma_start3A_162] : memref<10000x128xf32, #tpu.memory_space<hbm>> -> memref<10000x128xf32, #tpu.memory_space<hbm>>
        tpu.enqueue_indirect_dma source(%dma_start3A_163 : memref<10000x128xf32, #tpu.memory_space<hbm>>) target(%arg10 : memref<128x128xf32, #tpu.memory_space<vmem>>) offsets(%arg6 : memref<128xi32, #tpu.memory_space<vmem>>) semaphore(%arg15 : memref<!tpu.dma_semaphore, #tpu.memory_space<semaphore_mem>>)
      } else {
      }
      %dma_wait3A_139 = arith.constant 0 : i32
      %dma_wait3A_140 = arith.constant 0 : i32
      %dma_wait3A_141 = tpu.memref_slice %arg2[%dma_wait3A_139, %dma_wait3A_140] : memref<10000x128xf32, #tpu.memory_space<hbm>> -> memref<10000x128xf32, #tpu.memory_space<hbm>>
      tpu.wait_indirect_dma semaphore(%arg16 : memref<!tpu.dma_semaphore, #tpu.memory_space<semaphore_mem>>) src(%dma_wait3A_141 : memref<10000x128xf32, #tpu.memory_space<hbm>>) dst(%arg11 : memref<128x128xf32, #tpu.memory_space<vmem>>)
      %dma_start3A_142 = arith.constant 0 : i32
      %dma_start3A_143 = arith.constant 0 : i32
      %dma_start3A_144 = tpu.memref_slice %arg12[%dma_start3A_142, %dma_start3A_143] : memref<10240x128xf32, #tpu.memory_space<vmem_shared>> -> memref<10240x128xf32, #tpu.memory_space<vmem_shared>>
      tpu.enqueue_indirect_dma source(%arg11 : memref<128x128xf32, #tpu.memory_space<vmem>>) target(%dma_start3A_144 : memref<10240x128xf32, #tpu.memory_space<vmem_shared>>) offsets(%arg9 : memref<128xi32, #tpu.memory_space<vmem>>) semaphore(%arg18 : memref<!tpu.dma_semaphore, #tpu.memory_space<semaphore_mem>>) {add = true}
      %add3A_145 = arith.constant 2 : i32
      %add3A_146 = arith.addi %add3A_103, %add3A_145 : i32
      %lt3A_147 = arith.constant 80 : i32
      %lt3A_148 = arith.cmpi slt, %add3A_146, %lt3A_147 : i32
      %convert_element_type3A_149 = arith.extui %lt3A_148 : i1 to i32
      %cond3A_150 = arith.constant 0 : i32
      %cond3A_151 = arith.cmpi ne, %convert_element_type3A_149, %cond3A_150 : i32
      scf.if %cond3A_151 {
        %add3A_153 = arith.constant 2 : i32
        %add3A_154 = arith.addi %add3A_103, %add3A_153 : i32
        %mul3A_155 = arith.constant 128 : i32
        %mul3A_156 = arith.muli %add3A_154, %mul3A_155 : i32
        %add3A_157 = arith.addi %mul3A_2, %mul3A_156 : i32
        %dma_start3A_158 = tpu.memref_slice %arg3[%add3A_157] : memref<327680xi32, #tpu.memory_space<hbm>> -> memref<128xi32, #tpu.memory_space<hbm>>
        %dma_start3A_159 = tpu.memref_slice %arg3[%add3A_157] : memref<327680xi32, #tpu.memory_space<hbm>> -> memref<128xi32, #tpu.memory_space<hbm>>
        tpu.enqueue_dma source(%dma_start3A_159 : memref<128xi32, #tpu.memory_space<hbm>>) target(%arg7 : memref<128xi32, #tpu.memory_space<vmem>>) target_semaphore(%arg14 : memref<!tpu.dma_semaphore, #tpu.memory_space<semaphore_mem>>)
        %add3A_160 = arith.constant 2 : i32
        %add3A_161 = arith.addi %add3A_103, %add3A_160 : i32
        %mul3A_162 = arith.constant 128 : i32
        %mul3A_163 = arith.muli %add3A_161, %mul3A_162 : i32
        %add3A_164 = arith.addi %mul3A_2, %mul3A_163 : i32
        %dma_start3A_165 = tpu.memref_slice %arg4[%add3A_164] : memref<327680xi32, #tpu.memory_space<hbm>> -> memref<128xi32, #tpu.memory_space<hbm>>
        %dma_start3A_166 = tpu.memref_slice %arg4[%add3A_164] : memref<327680xi32, #tpu.memory_space<hbm>> -> memref<128xi32, #tpu.memory_space<hbm>>
        tpu.enqueue_dma source(%dma_start3A_166 : memref<128xi32, #tpu.memory_space<hbm>>) target(%arg9 : memref<128xi32, #tpu.memory_space<vmem>>) target_semaphore(%arg14 : memref<!tpu.dma_semaphore, #tpu.memory_space<semaphore_mem>>)
      } else {
      }
      %scan3A_152 = arith.constant 0 : i32
      scf.yield %scan3A_152 : i32
    }
    %scan3A_93 = arith.constant 40 : i32
    %dma_wait3A_94 = arith.constant 0 : i32
    %dma_wait3A_95 = arith.constant 0 : i32
    %dma_wait3A_96 = tpu.memref_slice %arg12[%dma_wait3A_94, %dma_wait3A_95] : memref<10240x128xf32, #tpu.memory_space<vmem_shared>> -> memref<10240x128xf32, #tpu.memory_space<vmem_shared>>
    tpu.wait_indirect_dma semaphore(%arg18 : memref<!tpu.dma_semaphore, #tpu.memory_space<semaphore_mem>>) src(%arg11 : memref<128x128xf32, #tpu.memory_space<vmem>>) dst(%dma_wait3A_96 : memref<10240x128xf32, #tpu.memory_space<vmem_shared>>)
    %barrier3A_97 = arith.constant 0 : index
    tpu.barrier barrier_id(%barrier3A_97)
    "tpu.region"() ({
      %run_scoped3A = tpu.sem_alloc : memref<!tpu.dma_semaphore, #tpu.memory_space<semaphore_mem>>
      %dma_start3A_98 = arith.constant 0 : i32
      %dma_start3A_99 = tpu.memref_slice %arg5[%arg0, %mul3A_11, %dma_start3A_98] : memref<2x10240x128xf32, #tpu.memory_space<hbm>> -> memref<1x640x128xf32, #tpu.memory_space<hbm>>
      %dma_start3A_100 = tpu.memref_squeeze %dma_start3A_99 : memref<1x640x128xf32, #tpu.memory_space<hbm>> -> memref<640x128xf32, #tpu.memory_space<hbm>>
      %dma_start3A_101 = arith.constant 0 : i32
      %dma_start3A_102 = tpu.memref_slice %arg12[%mul3A_11, %dma_start3A_101] : memref<10240x128xf32, #tpu.memory_space<vmem_shared>> -> memref<640x128xf32, #tpu.memory_space<vmem_shared>>
      tpu.enqueue_dma source(%dma_start3A_102 : memref<640x128xf32, #tpu.memory_space<vmem_shared>>) target(%dma_start3A_100 : memref<640x128xf32, #tpu.memory_space<hbm>>) target_semaphore(%run_scoped3A : memref<!tpu.dma_semaphore, #tpu.memory_space<semaphore_mem>>)
      %dma_wait3A_103 = arith.constant 0 : i32
      %dma_wait3A_104 = tpu.memref_slice %arg5[%arg0, %mul3A_11, %dma_wait3A_103] : memref<2x10240x128xf32, #tpu.memory_space<hbm>> -> memref<1x640x128xf32, #tpu.memory_space<hbm>>
      %dma_wait3A_105 = tpu.memref_squeeze %dma_wait3A_104 : memref<1x640x128xf32, #tpu.memory_space<hbm>> -> memref<640x128xf32, #tpu.memory_space<hbm>>
      %dma_wait3A_106 = arith.constant 0 : i32
      %dma_wait3A_107 = tpu.memref_slice %arg12[%mul3A_11, %dma_wait3A_106] : memref<10240x128xf32, #tpu.memory_space<vmem_shared>> -> memref<640x128xf32, #tpu.memory_space<vmem_shared>>
      tpu.wait_dma2 semaphore(%run_scoped3A : memref<!tpu.dma_semaphore, #tpu.memory_space<semaphore_mem>>) src(%dma_wait3A_107 : memref<640x128xf32, #tpu.memory_space<vmem_shared>>) dst(%dma_wait3A_105 : memref<640x128xf32, #tpu.memory_space<hbm>>)
      tpu.yield
    }) : () -> ()
    return
  }
}

module attributes {stable_mosaic.version = 14 : i64} {
  func.func @_mm_body(%arg0: i32, %arg1: memref<2x1024x128xf32, #tpu.memory_space<vmem>>, %arg2: memref<128x128xf32, #tpu.memory_space<vmem>>, %arg3: memref<1x128xf32, #tpu.memory_space<vmem>>, %arg4: memref<1024x128xf32, #tpu.memory_space<vmem>>) attributes {dimension_semantics = [#tpu.dimension_semantics<arbitrary>], iteration_bounds = array<i64: 10>, scalar_prefetch = 0 : i64, scratch_operands = 0 : i64, tpu.core_type = #tpu.core_type<tc>, window_params = [{transform_indices = @transform_0, window_bounds = array<i64: 2, 1024, 128>}, {pipeline_mode = #tpu.pipeline_mode<synchronous>, transform_indices = @transform_1, window_bounds = array<i64: 128, 128>}, {pipeline_mode = #tpu.pipeline_mode<synchronous>, transform_indices = @transform_2, window_bounds = array<i64: 1, 128>}, {transform_indices = @transform_3, window_bounds = array<i64: 1024, 128>}]} {
    %get3A = arith.constant 0 : index
    %get3A_0 = arith.constant 0 : index
    %get3A_1 = arith.constant 0 : index
    %get3A_2 = vector.load %arg1[%get3A, %get3A_0, %get3A_1] : memref<2x1024x128xf32, #tpu.memory_space<vmem>>, vector<1x1024x128xf32>
    %get3A_3 = vector.shape_cast %get3A_2 : vector<1x1024x128xf32> to vector<1024x128xf32>
    %get3A_4 = arith.constant 1 : index
    %get3A_5 = arith.constant 0 : index
    %get3A_6 = arith.constant 0 : index
    %get3A_7 = vector.load %arg1[%get3A_4, %get3A_5, %get3A_6] : memref<2x1024x128xf32, #tpu.memory_space<vmem>>, vector<1x1024x128xf32>
    %get3A_8 = vector.shape_cast %get3A_7 : vector<1x1024x128xf32> to vector<1024x128xf32>
    %add3A = arith.addf %get3A_3, %get3A_8 : vector<1024x128xf32>
    %get3A_9 = arith.constant 0 : index
    %get3A_10 = arith.constant 0 : index
    %get3A_11 = vector.load %arg2[%get3A_9, %get3A_10] : memref<128x128xf32, #tpu.memory_space<vmem>>, vector<128x128xf32>
    %dot_general3A = arith.constant dense<0.000000e+00> : vector<1024x128xf32>
    %dot_general3A_12 = tpu.matmul %add3A, %get3A_11, %dot_general3A {dimension_numbers = #tpu.dot_dimension_numbers<[1], [0], [0], [1], [0, 0, 1, 1], [], []>, transpose_lhs_hint = false} : vector<1024x128xf32>, vector<128x128xf32>, vector<1024x128xf32> -> vector<1024x128xf32>
    %get3A_13 = arith.constant 0 : index
    %get3A_14 = arith.constant 0 : index
    %get3A_15 = vector.load %arg3[%get3A_13, %get3A_14] : memref<1x128xf32, #tpu.memory_space<vmem>>, vector<1x128xf32>
    %add3A_16 = vector.broadcast %get3A_15 : vector<1x128xf32> to vector<1024x128xf32>
    %add3A_17 = arith.addf %dot_general3A_12, %add3A_16 : vector<1024x128xf32>
    %max3A = arith.constant 0.000000e+00 : f32
    %max3A_18 = vector.broadcast %max3A : f32 to vector<1024x128xf32>
    %max3A_19 = arith.maximumf %add3A_17, %max3A_18 : vector<1024x128xf32>
    %swap3A = arith.constant 0 : index
    %swap3A_20 = arith.constant 0 : index
    %swap3A_21 = vector.load %arg4[%swap3A, %swap3A_20] : memref<1024x128xf32, #tpu.memory_space<vmem>>, vector<1024x128xf32>
    tpu.vector_store %arg4[%swap3A, %swap3A_20], %max3A_19 {strides = array<i32>} : memref<1024x128xf32, #tpu.memory_space<vmem>>, vector<1024x128xf32>,
    return
  }
  func.func @transform_0(%arg0: i32) -> (i32, i32, i32) {
    %c0_i32 = arith.constant 0 : i32
    %c0_i32_0 = arith.constant 0 : i32
    %c0_i32_1 = arith.constant 0 : i32
    return %c0_i32, %arg0, %c0_i32_0 : i32, i32, i32
  }
  func.func @transform_1(%arg0: i32) -> (i32, i32) {
    %c0_i32 = arith.constant 0 : i32
    %c0_i32_0 = arith.constant 0 : i32
    %c0_i32_1 = arith.constant 0 : i32
    return %c0_i32, %c0_i32_0 : i32, i32
  }
  func.func @transform_2(%arg0: i32) -> (i32, i32) {
    %c0_i32 = arith.constant 0 : i32
    %c0_i32_0 = arith.constant 0 : i32
    %c0_i32_1 = arith.constant 0 : i32
    return %c0_i32, %c0_i32_0 : i32, i32
  }
  func.func @transform_3(%arg0: i32) -> (i32, i32) {
    %c0_i32 = arith.constant 0 : i32
    %c0_i32_0 = arith.constant 0 : i32
    return %arg0, %c0_i32 : i32, i32
  }
}

module attributes {stable_mosaic.version = 14 : i64} {
  func.func @_sm_body(%arg0: i32, %arg1: memref<2x1024x128xf32, #tpu.memory_space<vmem>>, %arg2: memref<128x16xf32, #tpu.memory_space<vmem>>, %arg3: memref<1x16xf32, #tpu.memory_space<vmem>>, %arg4: memref<1024x16xf32, #tpu.memory_space<vmem>>) attributes {dimension_semantics = [#tpu.dimension_semantics<arbitrary>], iteration_bounds = array<i64: 10>, scalar_prefetch = 0 : i64, scratch_operands = 0 : i64, tpu.core_type = #tpu.core_type<tc>, window_params = [{transform_indices = @transform_0, window_bounds = array<i64: 2, 1024, 128>}, {pipeline_mode = #tpu.pipeline_mode<synchronous>, transform_indices = @transform_1, window_bounds = array<i64: 128, 16>}, {pipeline_mode = #tpu.pipeline_mode<synchronous>, transform_indices = @transform_2, window_bounds = array<i64: 1, 16>}, {transform_indices = @transform_3, window_bounds = array<i64: 1024, 16>}]} {
    %get3A = arith.constant 0 : index
    %get3A_0 = arith.constant 0 : index
    %get3A_1 = arith.constant 0 : index
    %get3A_2 = vector.load %arg1[%get3A, %get3A_0, %get3A_1] : memref<2x1024x128xf32, #tpu.memory_space<vmem>>, vector<1x1024x128xf32>
    %get3A_3 = vector.shape_cast %get3A_2 : vector<1x1024x128xf32> to vector<1024x128xf32>
    %get3A_4 = arith.constant 1 : index
    %get3A_5 = arith.constant 0 : index
    %get3A_6 = arith.constant 0 : index
    %get3A_7 = vector.load %arg1[%get3A_4, %get3A_5, %get3A_6] : memref<2x1024x128xf32, #tpu.memory_space<vmem>>, vector<1x1024x128xf32>
    %get3A_8 = vector.shape_cast %get3A_7 : vector<1x1024x128xf32> to vector<1024x128xf32>
    %add3A = arith.addf %get3A_3, %get3A_8 : vector<1024x128xf32>
    %get3A_9 = arith.constant 0 : index
    %get3A_10 = arith.constant 0 : index
    %get3A_11 = vector.load %arg2[%get3A_9, %get3A_10] : memref<128x16xf32, #tpu.memory_space<vmem>>, vector<128x16xf32>
    %dot_general3A = arith.constant dense<0.000000e+00> : vector<1024x16xf32>
    %dot_general3A_12 = tpu.matmul %add3A, %get3A_11, %dot_general3A {dimension_numbers = #tpu.dot_dimension_numbers<[1], [0], [0], [1], [0, 0, 1, 1], [], []>, transpose_lhs_hint = false} : vector<1024x128xf32>, vector<128x16xf32>, vector<1024x16xf32> -> vector<1024x16xf32>
    %get3A_13 = arith.constant 0 : index
    %get3A_14 = arith.constant 0 : index
    %get3A_15 = vector.load %arg3[%get3A_13, %get3A_14] : memref<1x16xf32, #tpu.memory_space<vmem>>, vector<1x16xf32>
    %add3A_16 = vector.broadcast %get3A_15 : vector<1x16xf32> to vector<1024x16xf32>
    %add3A_17 = arith.addf %dot_general3A_12, %add3A_16 : vector<1024x16xf32>
    %reduce_max3A = arith.constant dense<0xFF800000> : vector<1024xf32>
    %reduce_max3A_18 = vector.multi_reduction <maximumf>, %add3A_17, %reduce_max3A [1] : vector<1024x16xf32> to vector<1024xf32>
    %broadcast_in_dim3A = vector.shape_cast %reduce_max3A_18 : vector<1024xf32> to vector<1024x1xf32>
    %sub3A = vector.broadcast %broadcast_in_dim3A : vector<1024x1xf32> to vector<1024x16xf32>
    %sub3A_19 = arith.subf %add3A_17, %sub3A : vector<1024x16xf32>
    %exp3A = math.exp %sub3A_19 : vector<1024x16xf32>
    %reduce_sum3A = arith.constant dense<0.000000e+00> : vector<1024xf32>
    %reduce_sum3A_20 = vector.multi_reduction <add>, %exp3A, %reduce_sum3A [1] : vector<1024x16xf32> to vector<1024xf32>
    %broadcast_in_dim3A_21 = vector.shape_cast %reduce_sum3A_20 : vector<1024xf32> to vector<1024x1xf32>
    %div3A = vector.broadcast %broadcast_in_dim3A_21 : vector<1024x1xf32> to vector<1024x16xf32>
    %div3A_22 = arith.divf %exp3A, %div3A : vector<1024x16xf32>
    %swap3A = arith.constant 0 : index
    %swap3A_23 = arith.constant 0 : index
    %swap3A_24 = vector.load %arg4[%swap3A, %swap3A_23] : memref<1024x16xf32, #tpu.memory_space<vmem>>, vector<1024x16xf32>
    tpu.vector_store %arg4[%swap3A, %swap3A_23], %div3A_22 {strides = array<i32>} : memref<1024x16xf32, #tpu.memory_space<vmem>>, vector<1024x16xf32>,
    return
  }
  func.func @transform_0(%arg0: i32) -> (i32, i32, i32) {
    %c0_i32 = arith.constant 0 : i32
    %c0_i32_0 = arith.constant 0 : i32
    %c0_i32_1 = arith.constant 0 : i32
    return %c0_i32, %arg0, %c0_i32_0 : i32, i32, i32
  }
  func.func @transform_1(%arg0: i32) -> (i32, i32) {
    %c0_i32 = arith.constant 0 : i32
    %c0_i32_0 = arith.constant 0 : i32
    %c0_i32_1 = arith.constant 0 : i32
    return %c0_i32, %c0_i32_0 : i32, i32
  }
  func.func @transform_2(%arg0: i32) -> (i32, i32) {
    %c0_i32 = arith.constant 0 : i32
    %c0_i32_0 = arith.constant 0 : i32
    %c0_i32_1 = arith.constant 0 : i32
    return %c0_i32, %c0_i32_0 : i32, i32
  }
  func.func @transform_3(%arg0: i32) -> (i32, i32) {
    %c0_i32 = arith.constant 0 : i32
    %c0_i32_0 = arith.constant 0 : i32
    return %arg0, %c0_i32 : i32, i32
  }
}

</mosaic_0001>

<sc_bundles>
// kernel: kernel.6.cloned.1.call-start
scs
__scs_entry_jumppad:
0x0: {  	(pc) =	sbr.rel $0x88, $3  }
0x1: {  	(tag) =	ssettag $0x0;
	lr =	simm.s32 $0x1  }
0x2: {  	[smem:$0x3F9B] =	sst lr;
	_ =	strace $0xD0000000  }
0x3: {  	_ = 	snop  }
0x4: {  	_ = 	snop  }
0x5: {  	_ = 	snop  }
0x6: {  	_ = 	snop  }
0x7: {  	_ = 	snop  }
__scs_overlays_trampoline_lowered:
0x8: {  	[smem:$0x3FAA] =	sst s0  }
0x9: {  	[smem:$0x3FAB] =	sst s1  }
0xa: {  	[smem:$0x3FAC] =	sst s2  }
0xb: {  	[smem:$0x3FAD] =	sst s3  }
0xc: {  	[smem:$0x3FAE] =	sst s4  }
0xd: {  	[smem:$0x3FAF] =	sst s5  }
0xe: {  	[smem:$0x3FB0] =	sst s6  }
0xf: {  	[smem:$0x3FB1] =	sst s7  }
0x10: {  	[smem:$0x3FB2] =	sst s8  }
0x11: {  	[smem:$0x3FB3] =	sst s9;
	s0 =	simm.s32 @!p0 $0x0  }
0x12: {  	s1 =	sld [smem:$0x3F99];
	s0 =	simm.s32 @p0 $0x1  }
0x13: {  	[smem:$0x3FB4] =	sst s0;
	s0 =	simm.s32 @!p1 $0x0  }
0x14: {  	s2 =	sld [smem:$0x3F98];
	s0 =	simm.s32 @p1 $0x1  }
0x15: {  	[smem:$0x3FB5] =	sst s0;
	s0 =	simm.s32 @!p2 $0x0  }
0x16: {  	s3 =	sld [smem:$0x3FDB];
	s0 =	simm.s32 @p2 $0x1  }
0x17: {  	s4 =	simm.s32 $0x1BF5;
	[smem:$0x3FB7] =	sst s0  }
0x18: {  	s0 =	sld [smem:$0x3F9A];
	_ =	swait.ge [sflag:s4], $0x0  }
0x19: {  	s7 =	sld [smem:$0x3F9B]  }
0x1a: {  	s8 =	sadd.s32 $0xFFFFE003, lr  }
0x1b: {  	s9 =	sadd.s32 $0xFFFFFEF7, lr;
	s5 =	simm.s32 $0xFFFFFFFF;
	p2 =	slt.u32 s8, $0xFFFFF086  }
0x1c: {  	p1 =	slt.u32 s9, $0xF7A;
	s5 =	simm.s32 @!p2 $0x0  }
0x1d: {  	s5 =	simm.s32 @p1 $0x1;
	p0 =	seq.s32 s7, s2  }
0x1e: {  	s7 =	smul.u32 @!p0 $0xF7A, s2;
	p2 =	seq.s32 @!p0 s5, $0x0  }
0x1f: {  	s9 =	smul.u32 $0xF7A, s1;
	s8 =	simm.s32 @!p0 $0x1BF5;
	p2 =	por !p2, p0  }
0x20: {  	[sflag:s8] =	ssyncset.s32 @!p0 $0xFFFFF086;
	s6 =	sadd.s32 @!p0 s3, s7;
	s7 =	simm.s32 @!p0 $0x108  }
0x21: {  	s3 =	sadd.s32 s3, s9;
	s6 =	sadd.s32 @!p0 $0x88, s6;
	s7 =	simm.s32 @p2 $0x1082  }
0x22: {  	[simem:s7], [sflag:s8] =	dma.local @!p0 [hbm:s6], $0xF7A  }
0x23: {  	s9 =	sor.u32 $0xD0000000, s2;
	s6 =	simm.s32 $0x108;
	_ =	swait.ge @!p0 [sflag:s8], $0x0  }
0x24: {  	s3 =	sadd.s32 $0x88, s3;
	s6 =	simm.s32 @!p1 $0x1082;
	[sflag:s4] =	ssyncset.s32 $0xFFFFF086  }
0x25: {  	[simem:s6], [sflag:s4] =	dma.local [hbm:s3], $0xF7A  }
0x26: {  	[smem:$0x3F9B] =	sst s1;
	(tag) =	ssettag s2;
	_ =	strace s9  }
0x27: {  	s1 =	sld [smem:$0x3FAB]  }
0x28: {  	s2 =	sld [smem:$0x3FAC]  }
0x29: {  	s4 =	sld [smem:$0x3FAE]  }
0x2a: {  	p0 =	seq.s32 s5, $0x0;
	s5 =	sld [smem:$0x3FAF]  }
0x2b: {  	s6 =	sld [smem:$0x3FB0]  }
0x2c: {  	s7 =	sld [smem:$0x3FB1]  }
0x2d: {  	s3 =	simm.s32 $0x108;
	s8 =	sld [smem:$0x3FB2]  }
0x2e: {  	s3 =	simm.s32 @!p0 $0x1082;
	s9 =	sld [smem:$0x3FB3]  }
0x2f: {  	lr =	sadd.s32 s0, s3;
	s0 =	sld [smem:$0x3FAA]  }
0x30: {  	s3 =	sld [smem:$0x3FAD]  }
0x31: {  	[smem:$0x3FB6] =	sst s10  }
0x32: {  	s10 =	sld [smem:$0x3FB4];
	_ =	sdelay $0x3  }
0x33: {  	p0 =	seq.s32 s10, $0x1;
	s10 =	sld [smem:$0x3FB6];
	_ =	sdelay $0x3  }
0x34: {  	[smem:$0x3FB6] =	sst s10  }
0x35: {  	s10 =	sld [smem:$0x3FB5];
	_ =	sdelay $0x3  }
0x36: {  	p1 =	seq.s32 s10, $0x1;
	s10 =	sld [smem:$0x3FB6];
	_ =	sdelay $0x3  }
0x37: {  	[smem:$0x3FB6] =	sst s10  }
0x38: {  	s10 =	sld [smem:$0x3FB7]  }
0x39: {  	_ = 	snop;
	(pc) =	sbr.ind lr, $3  }
0x3a: {  	_ = 	snop  }
0x3b: {  	_ = 	snop  }
0x3c: {  	p2 =	seq.s32 s10, $0x1;
	s10 =	sld [smem:$0x3FB6]  }
0x3d: {  	_ =	shalt  }
0x3e: {  	_ =	shalt  }
0x3f: {  	_ =	shalt  }
0x40: {  	_ =	shalt  }
0x41: {  	_ =	shalt  }
0x42: {  	_ =	shalt  }
0x43: {  	_ =	shalt  }
0x44: {  	_ =	shalt  }
0x45: {  	_ =	shalt  }
0x46: {  	_ =	shalt  }
0x47: {  	_ =	shalt  }
0x48: {  	_ =	shalt  }
0x49: {  	_ =	shalt  }
0x4a: {  	_ =	shalt  }
0x4b: {  	_ =	shalt  }
0x4c: {  	_ =	shalt  }
0x4d: {  	_ =	shalt  }
0x4e: {  	_ =	shalt  }
0x4f: {  	_ =	shalt  }
0x50: {  	_ =	shalt  }
0x51: {  	_ =	shalt  }
0x52: {  	_ =	shalt  }
0x53: {  	_ =	shalt  }
0x54: {  	_ =	shalt  }
0x55: {  	_ =	shalt  }
0x56: {  	_ =	shalt  }
0x57: {  	_ =	shalt  }
0x58: {  	_ =	shalt  }
0x59: {  	_ =	shalt  }
0x5a: {  	_ =	shalt  }
0x5b: {  	_ =	shalt  }
0x5c: {  	_ =	shalt  }
0x5d: {  	_ =	shalt  }
0x5e: {  	_ =	shalt  }
0x5f: {  	_ =	shalt  }
0x60: {  	_ =	shalt  }
0x61: {  	_ =	shalt  }
0x62: {  	_ =	shalt  }
0x63: {  	_ =	shalt  }
0x64: {  	_ =	shalt  }
0x65: {  	_ =	shalt  }
0x66: {  	_ =	shalt  }
0x67: {  	_ =	shalt  }
0x68: {  	_ =	shalt  }
0x69: {  	_ =	shalt  }
0x6a: {  	_ =	shalt  }
0x6b: {  	_ =	shalt  }
0x6c: {  	_ =	shalt  }
0x6d: {  	_ =	shalt  }
0x6e: {  	_ =	shalt  }
0x6f: {  	_ =	shalt  }
0x70: {  	_ =	shalt  }
0x71: {  	_ =	shalt  }
0x72: {  	_ =	shalt  }
0x73: {  	_ =	shalt  }
0x74: {  	_ =	shalt  }
0x75: {  	_ =	shalt  }
0x76: {  	_ =	shalt  }
0x77: {  	_ =	shalt  }
0x78: {  	_ =	shalt  }
0x79: {  	_ =	shalt  }
0x7a: {  	_ =	shalt  }
0x7b: {  	_ =	shalt  }
0x7c: {  	_ =	shalt  }
0x7d: {  	_ =	shalt  }
0x7e: {  	_ =	shalt  }
0x7f: {  	_ =	shalt  }
0x80: {  	_ =	shalt  }
0x81: {  	_ =	shalt  }
0x82: {  	_ =	shalt  }
0x83: {  	_ =	shalt  }
0x84: {  	_ =	shalt  }
0x85: {  	_ =	shalt  }
0x86: {  	_ =	shalt  }
0x87: {  	_ =	shalt  }
.Lfunc_end0:
.L_simem_size_0:
called_computation_lowered:
.L_overlay_start_0:
0x88: {  	s2 =	sld [smem:$0x3FD9]  }
0x89: {  	s3 =	sld [smem:$0x3FFE];
	_ =	sdelay $0x1  }
0x8a: {  	s1 =	srdreg.scid  }
0x8b: {  	s0 =	sand.u32 $0x1, s1  }
0x8c: {  	s17 =	sshll.u32 s0, $0xA;
	s2 =	sadd.s32 s3, s2  }
0x8d: {  	s2 =	sadd.s32 s2, s17  }
0x8e: {  	[smem:$0x3FC2] =	sst s2  }
0x8f: {  	_ = 	snop  }
0x90: {  	s2 =	sld [smem:$0x3FC9];
	(tm) =	ssettm $0x1  }
0x91: {  	s18 =	sld [smem:$0x3FFB];
	_ =	sdelay $0x3  }
0x92: {  	_ =	strace s18  }
0x93: {  	s3 =	sld [smem:$0x3FFC];
	_ =	sdelay $0x3  }
0x94: {  	_ =	strace s3  }
0x95: {  	s3 =	sld [smem:$0x3FFD];
	_ =	sdelay $0x3  }
0x96: {  	_ =	strace s3  }
0x97: {  	_ =	strace $0x8FFFFFFF  }
0x98: {  	s19 =	sld [smem:$0x3FDB];
	_ =	sdelay $0x1  }
0x99: {  	s4 =	simm.s32 $_scs_section_size  }
0x9a: {  	s5 =	simm.s32 $_size__tile_overlayer_lowered;
	s6 =	simm.s32 $_tile_overlayer_lowered  }
0x9b: {  	s22 =	simm.s32 $0x1BFF;
	s21 =	sshll.u32 s6, $0x1;
	s3 =	sadd.s32 s4, s19  }
0x9c: {  	s7 =	simm.s32 $0x0;
	s20 =	sshll.u32 s5, $0x1;
	s5 =	sadd.s32 s21, s3  }
0x9d: {  	[timem:s7], [sflag:s22] =	dma.local [hbm:s5], s20  }
0x9e: {  	_ =	swait.ge [sflag:s22], s20  }
0x9f: {  	s4 =	ssub.s32 $0x0, s20;
	[sflag:s22] =	ssyncset.done $0x0  }
0xa0: {  	[sflag:s22] =	ssyncadd.s32 s4;
	_ =	sdelay $0x1  }
0xa1: {  	s23 =	simm.s32 $0x1B8B  }
0xa2: {  	_ =	swait.ge [sflag:s23], $0x1  }
0xa3: {  	[sflag:s23] =	ssyncset.done $0x0  }
0xa4: {  	s25 =	simm.s32 $0x1B8E;
	s24 =	sld [smem:$0x3FFE];
	[sflag:s23] =	ssyncadd.s32 $0xFFFFFFFF  }
0xa5: {  	s26 =	simm.s32 $execute0_lowered;
	[smem:$0x3FD2] =	sst s25  }
0xa6: {  	s5 =	sshll.u32 s26, $0x1;
	_ =	strace $0x80000046;
	[dreg:$0x1] =	wrdreg $0xFFFFFFFF  }
0xa7: {  	s28 =	simm.s32 $_size_execute0_lowered;
	s3 =	sadd.s32 s3, s5;
	[dreg:$0x0] =	wrdreg $0x0  }
0xa8: {  	s5 =	sshll.u32 s28, $0x1;
	[dreg:$0x2] =	wrdreg s3  }
0xa9: {  	[dreg:$0x3] =	wrdreg s5  }
0xaa: {  	[dreg:$0x4] =	wrdreg $0xC0  }
0xab: {  	_ =	task [dreg:s7], $0x5FFFF  }
0xac: {  	[dreg:$0x1] =	wrdreg $0xFFFFFFFF  }
0xad: {  	[dreg:$0x0] =	wrdreg $0x60  }
0xae: {  	[dreg:$0x2] =	wrdreg s2  }
0xaf: {  	[dreg:$0x3] =	wrdreg s24  }
0xb0: {  	[dreg:$0x4] =	wrdreg $0x82000  }
0xb1: {  	[dreg:$0x5] =	wrdreg $0x9  }
0xb2: {  	_ =	task.clear_ibuf [dreg:s7], $0x6FFFF;
	_ =	strace $0x90000046  }
0xb3: {  	s29 =	simm.s32 $0x9;
	_ =	strace $0x80000048  }
0xb4: {  	_ =	swait.ge [sflag:s29], $0x1  }
0xb5: {  	[sflag:s29] =	ssyncadd.s32 $0xFFFFFFFF  }
0xb6: {  	_ =	strace $0x90000048  }
0xb7: {  	_ =	sfence  }
0xb8: {  	s30 =	sld [smem:$0x0];
	_ =	sdelay $0x2  }
0xb9: {  	s31 =	sshll.u32 s1, $0xD;
	s1 =	sshrl.u32 s1, $0x2  }
0xba: {  	s3 =	sand.u32 $0x4000, s31;
	s1 =	sadd.s32 s1, s30  }
0xbb: {  	s0 =	sor.u32 s3, s0;
	s1 =	sshll.u32 s1, $0x11  }
0xbc: {  	s0 =	sor.u32 s1, s0  }
0xbd: {  	s0 =	sadd.s32 $0x8F2B, s0  }
0xbe: {  	[sflag:s0] =	ssyncadd.remote.s32 $0x1  }
0xbf: {  	_ =	sfence.sel $0xFFFF  }
0xc0: {  	[dreg:$0x0] =	wrdreg $0xFFFFFFFF;
	(pc) =	sbr.abs _section_cstart, $3  }
0xc1: {  	[dreg:$0x1] =	wrdreg $0xFFFFFFFF  }
0xc2: {  	_ =	task.clear_ibuf [dreg:s7], $0x2FFFF;
	_ =	strace $0x9FFFFFFF  }
0xc3: {  	(tm) =	ssettm $0x7FFFFFFF  }
tec
execute0_lowered:
.L_overlay_start_1:
0x0: {  	(tag) =	ssettag $0x1  }
0x1: {  	s0 =	rddreg [dreg:$0x0]  }
0x2: {  	s1 =	rddreg [dreg:$0x1];
	s2 =	srdreg.scid  }
0x3: {  	s3 =	rddreg [dreg:$0x2];
	s12 =	stileid.u32;
	s4 =	simm.s32 $0x0  }
0x4: {  	s28 =	simm.s32 $0x80;
	s29 =	simm.s32 $0x180;
	s6 =	smul.u32 $0x14000, s12  }
0x5: {  	s30 =	simm.s32 $0x1;
	s2 =	sand.u32 $0x1, s2;
	s7 =	smul.u32 $0x50000, s12  }
0x6: {  	s31 =	simm.s32 $0x2;
	[smem:$0x7FF] =	sst s4;
	s5 =	smul.u32 $0x140000, s2  }
0x7: {  	s8 =	sadd.s32 $0xB000, s1;
	s22 =	smul.u32 $0x2800, s12;
	_ =	strace $0x80000047  }
0x8: {  	s25 =	sshll.u32 s2, $0x4;
	s9 =	ssub.s32 $0x2, s2;
	s5 =	sadd.s32 s6, s5  }
0x9: {  	s2 =	smul.u32 $0x28000, s2;
	s7 =	sshrl.u32 s7, $0x2;
	s5 =	sshrl.u32 s5, $0x3  }
0xa: {  	s6 =	sadd.s32 $0x1000, s1;
	s1 =	sadd.s32 s5, s1;
	s5 =	sor.u32 s12, s25  }
0xb: {  	s10 =	sshrl.u32 s9, $0x1;
	s11 =	smul.u32 $0x2800, s5;
	s5 =	sadd.s32 s7, s3  }
0xc: {  	s26 =	ssub.s32 s9, s10;
	s2 =	sadd.s32 s22, s2;
	s10 =	sadd.s32 $0x4000, s5  }
0xd: {  	s25 =	sor.u32 $0x280, s2;
	s13 =	sadd.s32 $0x8000, s5;
	[dreg:$0x4] =	wrdreg s10  }
0xe: {  	s2 =	sor.u32 $0x200, s2;
	s14 =	sadd.s32 $0xC000, s5;
	[dreg:$0x5] =	wrdreg s13  }
0xf: {  	s7 =	simm.s32 $0x6;
	s15 =	sadd.s32 $0x10000, s5;
	[dreg:$0x6] =	wrdreg s14  }
0x10: {  	[dreg:$0x7] =	wrdreg s15;
	s16 =	sshrl.u32 s11, $0x3;
	s20 =	sor.u32 $0x100, s11  }
0x11: {  	s21 =	sor.u32 $0x180, s11;
	s14 =	sadd.s32 $0x15000, s1;
	s15 =	smax.u32 s26, $0x1  }
0x12: {  	s1 =	sshrl.u32 s25, $0x3;
	s26 =	sshrl.u32 s2, $0x3;
	s25 =	simm.s32 $0x3  }
0x13: {  	s2 =	simm.s32 $0x5;
	s17 =	sadd.s32 s6, s16;
	s18 =	sadd.s32 s8, s16  }
0x14: {  	s9 =	sor.u32 $0x10, s16;
	s23 =	sshrl.u32 s20, $0x3;
	s24 =	sshrl.u32 s21, $0x3  }
0x15: {  	s20 =	sadd.s32 s1, s8;
	s21 =	sadd.s32 s1, s6;
	[dreg:$0x8] =	wrdreg s17  }
0x16: {  	s22 =	sadd.s32 s26, s8;
	s1 =	simm.s32 $0x4200;
	[dreg:$0x9] =	wrdreg s18  }
.Ltmp0:
0x17: {  	s19 =	sadd.s32 s6, s9;
	s9 =	sadd.s32 s8, s9;
	(pc) =	sbr.rel .LBB2_1-.Ltmp0, $4  }
0x18: {  	s16 =	sadd.s32 s6, s23;
	s17 =	sadd.s32 s8, s23;
	s18 =	sadd.s32 s6, s24  }
0x19: {  	s23 =	sadd.s32 s26, s6;
	s26 =	simm.s32 $0x100;
	[dreg:$0xa] =	wrdreg s19  }
0x1a: {  	s6 =	simm.s32 $0x4;
	[dreg:$0xb] =	wrdreg s9;
	s19 =	sadd.s32 s8, s24  }
0x1b: {  	v0 =	vimm.f32 $0.0e+00;
	s24 =	simm.s32 $0x200;
	s8 =	simm.s32 $0x7;
	s9 =	simm.s32 $0x0  }
.LBB2_6:
0x1c: {  	_ =	swait.ge [sflag:s7], $0x4000;
	s10 =	stileid.u32  }
0x1d: {  	s11 =	sshrl.u32 s5, $0x3;
	s9 =	sadd.s32 $0x1, s9;
	[sflag:s7] =	ssyncset.done $0x0  }
0x1e: {  	s10 =	sshll.u32 s10, $0x6;
	p0 =	sne.s32 s9, s15;
	[sflag:s7] =	ssyncadd.s32 $0xFFFFC000  }
.Ltmp1:
0x1f: {  	s10 =	sor.u32 $0x1C07, s10;
	[bflag:$0x0] =	sbarrier.arrive $0xFFFF;
	(pc) =	sbr.rel @!p0 .LBB2_7-.Ltmp1, $4  }
0x20: {  	[hbm:s14], [sflag:s10] =	dma.local [spmem:s11], $0x2800  }
0x21: {  	_ =	swait.ge [sflag:s8], $0x2800  }
0x22: {  	[sflag:s8] =	ssyncset.done $0x0  }
0x23: {  	[sflag:s8] =	ssyncadd.s32 $0xFFFFD800  }
.LBB2_1:
0x24: {  	s10 =	simm.s32 $0x0;
	s11 =	simm.s32 $0x200  }
.LBB2_2:
0x25: {  	p0 =	sne.s32 s11, $0xFE00;
	[tilespmem:s10+$0x270] =	vst v0  }
0x26: {  	[tilespmem:s10+$0x200] =	vst v0  }
0x27: {  	[tilespmem:s10+$0x210] =	vst v0  }
.Ltmp2:
0x28: {  	[tilespmem:s10+$0x220] =	vst v0;
	(pc) =	sbr.rel @p0 .LBB2_2-.Ltmp2, $4  }
0x29: {  	[tilespmem:s10+$0x230] =	vst v0  }
0x2a: {  	[tilespmem:s10+$0x240] =	vst v0  }
0x2b: {  	[tilespmem:s10+$0x250] =	vst v0  }
0x2c: {  	[tilespmem:s10+$0x260] =	vst v0;
	s10 =	sshra.s32 s11, $0x2;
	s11 =	sadd.s32 $0x200, s11  }
0x2d: {  	[tilespmem:s10+$0x270] =	vst v0  }
0x2e: {  	[tilespmem:s10+$0x200] =	vst v0  }
0x2f: {  	[tilespmem:s10+$0x210] =	vst v0  }
0x30: {  	[tilespmem:s10+$0x220] =	vst v0  }
0x31: {  	[tilespmem:s10+$0x230] =	vst v0  }
0x32: {  	[tilespmem:s10+$0x240] =	vst v0  }
0x33: {  	[tilespmem:s10+$0x250] =	vst v0  }
0x34: {  	[tilespmem:s10+$0x260] =	vst v0  }
0x35: {  	[spmem:s5] =	stream.linear.scatter [tilespmem:s24], [sflag:$0x3], $0x4000, $0x38;
	[tilespmem:$0x1C200] =	vst v63  }
0x36: {  	s12 =	rddreg [dreg:$0x4]  }
0x37: {  	[spmem:s12] =	stream.linear.scatter [tilespmem:s24], [sflag:$0x3], $0x4000, $0x38;
	[tilespmem:$0x1C200] =	vst v63  }
0x38: {  	s13 =	rddreg [dreg:$0x5]  }
0x39: {  	[spmem:s13] =	stream.linear.scatter [tilespmem:s24], [sflag:$0x3], $0x4000, $0x38;
	[tilespmem:$0x1C200] =	vst v63  }
0x3a: {  	s11 =	rddreg [dreg:$0x6]  }
0x3b: {  	[spmem:s11] =	stream.linear.scatter [tilespmem:s24], [sflag:$0x3], $0x4000, $0x38;
	[tilespmem:$0x1C200] =	vst v63  }
0x3c: {  	s12 =	rddreg [dreg:$0x7]  }
0x3d: {  	[spmem:s12] =	stream.linear.scatter [tilespmem:s24], [sflag:$0x3], $0x4000, $0x38;
	[tilespmem:$0x1C200] =	vst v63  }
0x3e: {  	_ =	swait.ge [sflag:s25], $0x4000  }
0x3f: {  	[sflag:s25] =	ssyncset.done $0x0  }
0x40: {  	[sflag:s25] =	ssyncadd.s32 $0xFFFFC000  }
0x41: {  	_ =	swait.ge [sflag:s25], $0x4000  }
0x42: {  	[sflag:s25] =	ssyncset.done $0x0  }
0x43: {  	[sflag:s25] =	ssyncadd.s32 $0xFFFFC000  }
0x44: {  	_ =	swait.ge [sflag:s25], $0x4000  }
0x45: {  	[sflag:s25] =	ssyncset.done $0x0  }
0x46: {  	[sflag:s25] =	ssyncadd.s32 $0xFFFFC000  }
0x47: {  	_ =	swait.ge [sflag:s25], $0x4000  }
0x48: {  	[sflag:s25] =	ssyncset.done $0x0  }
0x49: {  	[sflag:s25] =	ssyncadd.s32 $0xFFFFC000  }
0x4a: {  	_ =	swait.ge [sflag:s25], $0x4000  }
0x4b: {  	[sflag:s25] =	ssyncset.done $0x0  }
0x4c: {  	[sflag:s25] =	ssyncadd.s32 $0xFFFFC000  }
0x4d: {  	[bflag:$0x0] =	sbarrier.arrive $0xFFFF  }
0x4e: {  	s10 =	simm.s32 $0x0;
	s11 =	rddreg [dreg:$0x8]  }
0x4f: {  	[tilespmem:s10], [sflag:$0x1] =	stream.linear.gather [hbm4b:s11+s10], $0x80, $0x38;
	[tilespmem:$0x1C200] =	vst v63  }
0x50: {  	s13 =	rddreg [dreg:$0x9]  }
0x51: {  	[tilespmem:s26], [sflag:$0x1] =	stream.linear.gather [hbm4b:s13+s10], $0x80, $0x38;
	[tilespmem:$0x1C200] =	vst v63  }
0x52: {  	s12 =	rddreg [dreg:$0xa]  }
0x53: {  	[tilespmem:s28], [sflag:$0x2] =	stream.linear.gather [hbm4b:s12+s10], $0x80, $0x38;
	[tilespmem:$0x1C200] =	vst v63  }
0x54: {  	s13 =	rddreg [dreg:$0xb]  }
0x55: {  	[tilespmem:s29], [sflag:$0x2] =	stream.linear.gather [hbm4b:s13+s10], $0x80, $0x38;
	[tilespmem:$0x1C200] =	vst v63  }
0x56: {  	_ =	swait.ge [sflag:s30], $0x80  }
0x57: {  	[sflag:s30] =	ssyncset.done $0x0  }
0x58: {  	[sflag:s30] =	ssyncadd.s32 $0xFFFFFF80  }
0x59: {  	_ =	swait.ge [sflag:s30], $0x80  }
0x5a: {  	[sflag:s30] =	ssyncset.done $0x0  }
0x5b: {  	[sflag:s30] =	ssyncadd.s32 $0xFFFFFF80  }
0x5c: {  	[tilespmem:s24], [sflag:$0x3] =	stream.indirect.gather [hbm4b:s0+s28], $0x80, s10, s28, $0xb8;
	[tilespmem:$0x1C200] =	vst v63  }
0x5d: {  	_ =	swait.ge [sflag:s31], $0x80  }
0x5e: {  	[sflag:s31] =	ssyncset.done $0x0  }
0x5f: {  	[sflag:s31] =	ssyncadd.s32 $0xFFFFFF80  }
0x60: {  	_ =	swait.ge [sflag:s31], $0x80  }
0x61: {  	[sflag:s31] =	ssyncset.done $0x0  }
0x62: {  	[sflag:s31] =	ssyncadd.s32 $0xFFFFFF80  }
0x63: {  	[tilespmem:s1], [sflag:$0x4] =	stream.indirect.gather [hbm4b:s0+s28], $0x80, s28, s28, $0xb8;
	[tilespmem:$0x1C200] =	vst v63  }
0x64: {  	_ =	swait.ge [sflag:s25], $0x4000  }
0x65: {  	[sflag:s25] =	ssyncset.done $0x0  }
0x66: {  	[sflag:s25] =	ssyncadd.s32 $0xFFFFC000  }
0x67: {  	[spmem:s3] =	stream.indirect.scatter.add.f32 [tilespmem:s24], [sflag:$0x5], $0x80, s26, s28, $0xb8;
	[tilespmem:$0x1C200] =	vst v63  }
0x68: {  	_ = 	snop  }
0x69: {  	[tilespmem:s10], [sflag:$0x1] =	stream.linear.gather [hbm4b:s16+s10], $0x80, $0x38;
	[tilespmem:$0x1C200] =	vst v63  }
0x6a: {  	_ = 	snop  }
0x6b: {  	[tilespmem:s26], [sflag:$0x1] =	stream.linear.gather [hbm4b:s17+s10], $0x80, $0x38;
	[tilespmem:$0x1C200] =	vst v63  }
0x6c: {  	_ =	swait.ge [sflag:s2], $0x4000  }
0x6d: {  	[sflag:s2] =	ssyncset.done $0x0  }
0x6e: {  	[sflag:s2] =	ssyncadd.s32 $0xFFFFC000  }
0x6f: {  	_ =	swait.ge [sflag:s30], $0x80  }
0x70: {  	[sflag:s30] =	ssyncset.done $0x0  }
0x71: {  	[sflag:s30] =	ssyncadd.s32 $0xFFFFFF80  }
0x72: {  	_ =	swait.ge [sflag:s30], $0x80  }
0x73: {  	[sflag:s30] =	ssyncset.done $0x0  }
0x74: {  	[sflag:s30] =	ssyncadd.s32 $0xFFFFFF80  }
0x75: {  	[tilespmem:s24], [sflag:$0x3] =	stream.indirect.gather [hbm4b:s0+s28], $0x80, s10, s28, $0xb8;
	[tilespmem:$0x1C200] =	vst v63  }
0x76: {  	_ =	swait.ge [sflag:s6], $0x4000  }
0x77: {  	[sflag:s6] =	ssyncset.done $0x0  }
0x78: {  	[sflag:s6] =	ssyncadd.s32 $0xFFFFC000  }
0x79: {  	[spmem:s3] =	stream.indirect.scatter.add.f32 [tilespmem:s1], [sflag:$0x6], $0x80, s29, s28, $0xb8;
	[tilespmem:$0x1C200] =	vst v63  }
0x7a: {  	_ = 	snop  }
0x7b: {  	[tilespmem:s28], [sflag:$0x2] =	stream.linear.gather [hbm4b:s18+s10], $0x80, $0x38;
	[tilespmem:$0x1C200] =	vst v63  }
0x7c: {  	_ = 	snop  }
0x7d: {  	[tilespmem:s29], [sflag:$0x2] =	stream.linear.gather [hbm4b:s19+s10], $0x80, $0x38;
	[tilespmem:$0x1C200] =	vst v63  }
.LBB2_4:
0x7e: {  	_ =	swait.ge [sflag:s7], $0x4000  }
0x7f: {  	[sflag:s7] =	ssyncset.done $0x0  }
0x80: {  	[sflag:s7] =	ssyncadd.s32 $0xFFFFC000  }
0x81: {  	_ =	swait.ge [sflag:s31], $0x80  }
0x82: {  	[sflag:s31] =	ssyncset.done $0x0  }
0x83: {  	[sflag:s31] =	ssyncadd.s32 $0xFFFFFF80  }
0x84: {  	_ =	swait.ge [sflag:s31], $0x80  }
0x85: {  	[sflag:s31] =	ssyncset.done $0x0  }
0x86: {  	[sflag:s31] =	ssyncadd.s32 $0xFFFFFF80  }
0x87: {  	[tilespmem:s1], [sflag:$0x4] =	stream.indirect.gather [hbm4b:s0+s28], $0x80, s28, s28, $0xb8;
	[tilespmem:$0x1C200] =	vst v63  }
0x88: {  	_ =	swait.ge [sflag:s25], $0x4000  }
0x89: {  	p0 =	seq.s32 s10, $0x4C0;
	[sflag:s25] =	ssyncset.done $0x0  }
0x8a: {  	s11 =	simm.s32 @p0 $0x5;
	[sflag:s25] =	ssyncadd.s32 $0xFFFFC000  }
0x8b: {  	[spmem:s3] =	stream.indirect.scatter.add.f32 [tilespmem:s24], [sflag:$0x5], $0x80, s26, s28, $0xb8;
	[tilespmem:$0x1C200] =	vst v63  }
0x8c: {  	_ =	swait.ge @p0 [sflag:s11], $0x4000  }
0x8d: {  	[sflag:s11] =	ssyncset.done @p0 $0x0  }
0x8e: {  	s12 =	simm.s32 @!p0 $0x0;
	[sflag:s11] =	ssyncadd.s32 @p0 $0xFFFFC000;
	s11 =	sadd.s32 @!p0 s10, s23  }
0x8f: {  	[tilespmem:s12], [sflag:$0x1] =	stream.linear.gather @!p0 [hbm4b:s11+s12], $0x80, $0x38;
	[tilespmem:$0x1C200] =	vst v63  }
0x90: {  	s13 =	simm.s32 @!p0 $0x100;
	s11 =	sadd.s32 @!p0 s10, s22  }
0x91: {  	[tilespmem:s13], [sflag:$0x1] =	stream.linear.gather @!p0 [hbm4b:s11+s12], $0x80, $0x38;
	[tilespmem:$0x1C200] =	vst v63  }
0x92: {  	s11 =	simm.s32 @!p0 $0x5  }
0x93: {  	_ =	swait.ge @!p0 [sflag:s11], $0x4000  }
0x94: {  	[sflag:s11] =	ssyncset.done @!p0 $0x0  }
0x95: {  	[sflag:s11] =	ssyncadd.s32 @!p0 $0xFFFFC000;
	s11 =	simm.s32 @!p0 $0x1  }
0x96: {  	_ =	swait.ge @!p0 [sflag:s11], $0x80  }
0x97: {  	[sflag:s11] =	ssyncset.done @!p0 $0x0  }
0x98: {  	[sflag:s11] =	ssyncadd.s32 @!p0 $0xFFFFFF80  }
0x99: {  	_ =	swait.ge @!p0 [sflag:s11], $0x80  }
0x9a: {  	[sflag:s11] =	ssyncset.done @!p0 $0x0  }
0x9b: {  	s13 =	simm.s32 @!p0 $0x200;
	[sflag:s11] =	ssyncadd.s32 @!p0 $0xFFFFFF80;
	s11 =	simm.s32 @!p0 $0x80  }
0x9c: {  	[tilespmem:s13], [sflag:$0x3] =	stream.indirect.gather @!p0 [hbm4b:s0+s11], $0x80, s12, s11, $0xb8;
	[tilespmem:$0x1C200] =	vst v63  }
.Ltmp3:
0x9d: {  	_ = 	snop;
	(pc) =	sbr.rel @p0 .LBB2_6-.Ltmp3, $4  }
0x9e: {  	_ =	swait.ge [sflag:s6], $0x4000  }
0x9f: {  	[sflag:s6] =	ssyncset.done $0x0  }
0xa0: {  	[sflag:s6] =	ssyncadd.s32 $0xFFFFC000  }
0xa1: {  	[spmem:s3] =	stream.indirect.scatter.add.f32 [tilespmem:s1], [sflag:$0x6], $0x80, s29, s28, $0xb8;
	[tilespmem:$0x1C200] =	vst v63  }
.Ltmp4:
0xa2: {  	(pc) =	sbr.rel .LBB2_4-.Ltmp4, $4  }
0xa3: {  	s11 =	sadd.s32 s10, s21  }
0xa4: {  	[tilespmem:s28], [sflag:$0x2] =	stream.linear.gather [hbm4b:s11+s4], $0x80, $0x38;
	[tilespmem:$0x1C200] =	vst v63  }
0xa5: {  	s13 =	sadd.s32 s10, s20;
	s10 =	sadd.s32 $0x20, s10  }
0xa6: {  	[tilespmem:s29], [sflag:$0x2] =	stream.linear.gather [hbm4b:s13+s4], $0x80, $0x38;
	[tilespmem:$0x1C200] =	vst v63  }
.LBB2_7:
0xa7: {  	_ =	sfence.sel $0x180000  }
0xa8: {  	[bflag:$0x0] =	sbarrier.arrive $0xFFFF  }
0xa9: {  	_ =	strace $0x90000047  }
0xaa: {  	s0 =	stileid.u32;
	[bflag:$0x2] =	sbarrier.arrive $0xFFFF  }
0xab: {  	p0 =	sne.s32 s0, $0x0;
	s0 =	rddreg [dreg:$0x3]  }
0xac: {  	s0 =	sadd.s32 @!p0 $0x100000, s0  }
0xad: {  	[sflag:s0] =	ssyncadd.tile.s32 @!p0 $0x1;
	_ =	shalt  }
.Lfunc_end2:
_tile_overlayer_lowered:
.L_overlay_start_2:
0xae: {  	(tag) =	ssettag $0x2  }
0xaf: {  	s0 =	rddreg [dreg:$0x0];
	s2 =	stileid.u32  }
0xb0: {  	s1 =	rddreg [dreg:$0x1];
	p0 =	sne.s32 s2, $0x0  }
0xb1: {  	s3 =	rddreg [dreg:$0x2];
	[bflag:$0x3] =	sbarrier.arrive $0xFFFF;
	s2 =	simm.s32 @!p0 $0x1C07  }
0xb2: {  	[timem:s3], [sflag:s2] =	dma.local @!p0 [hbm:s0], s1  }
0xb3: {  	s0 =	simm.s32 @!p0 $0x7  }
0xb4: {  	_ =	swait.ge @!p0 [sflag:s0], s1  }
0xb5: {  	s1 =	ssub.s32 @!p0 $0x0, s1;
	[sflag:s0] =	ssyncset.done @!p0 $0x0  }
0xb6: {  	[sflag:s0] =	ssyncadd.s32 @!p0 s1  }
0xb7: {  	[bflag:$0x3] =	sbarrier.arrive $0xFFFF  }
0xb8: {  	_ =	shalt  }

// kernel: kernel.9.cloned.1.call-start
scs
__scs_entry_jumppad:
0x0: {  	(pc) =	sbr.rel $0x88, $3  }
0x1: {  	(tag) =	ssettag $0x0;
	lr =	simm.s32 $0x1  }
0x2: {  	[smem:$0x3F9B] =	sst lr;
	_ =	strace $0xD0000000  }
0x3: {  	_ = 	snop  }
0x4: {  	_ = 	snop  }
0x5: {  	_ = 	snop  }
0x6: {  	_ = 	snop  }
0x7: {  	_ = 	snop  }
__scs_overlays_trampoline_lowered:
0x8: {  	[smem:$0x3FAA] =	sst s0  }
0x9: {  	[smem:$0x3FAB] =	sst s1  }
0xa: {  	[smem:$0x3FAC] =	sst s2  }
0xb: {  	[smem:$0x3FAD] =	sst s3  }
0xc: {  	[smem:$0x3FAE] =	sst s4  }
0xd: {  	[smem:$0x3FAF] =	sst s5  }
0xe: {  	[smem:$0x3FB0] =	sst s6  }
0xf: {  	[smem:$0x3FB1] =	sst s7  }
0x10: {  	[smem:$0x3FB2] =	sst s8  }
0x11: {  	[smem:$0x3FB3] =	sst s9;
	s0 =	simm.s32 @!p0 $0x0  }
0x12: {  	s1 =	sld [smem:$0x3F99];
	s0 =	simm.s32 @p0 $0x1  }
0x13: {  	[smem:$0x3FB4] =	sst s0;
	s0 =	simm.s32 @!p1 $0x0  }
0x14: {  	s2 =	sld [smem:$0x3F98];
	s0 =	simm.s32 @p1 $0x1  }
0x15: {  	[smem:$0x3FB5] =	sst s0;
	s0 =	simm.s32 @!p2 $0x0  }
0x16: {  	s3 =	sld [smem:$0x3FDB];
	s0 =	simm.s32 @p2 $0x1  }
0x17: {  	s4 =	simm.s32 $0x1BF5;
	[smem:$0x3FB7] =	sst s0  }
0x18: {  	s0 =	sld [smem:$0x3F9A];
	_ =	swait.ge [sflag:s4], $0x0  }
0x19: {  	s7 =	sld [smem:$0x3F9B]  }
0x1a: {  	s8 =	sadd.s32 $0xFFFFE003, lr  }
0x1b: {  	s9 =	sadd.s32 $0xFFFFFEF7, lr;
	s5 =	simm.s32 $0xFFFFFFFF;
	p2 =	slt.u32 s8, $0xFFFFF086  }
0x1c: {  	p1 =	slt.u32 s9, $0xF7A;
	s5 =	simm.s32 @!p2 $0x0  }
0x1d: {  	s5 =	simm.s32 @p1 $0x1;
	p0 =	seq.s32 s7, s2  }
0x1e: {  	s7 =	smul.u32 @!p0 $0xF7A, s2;
	p2 =	seq.s32 @!p0 s5, $0x0  }
0x1f: {  	s9 =	smul.u32 $0xF7A, s1;
	s8 =	simm.s32 @!p0 $0x1BF5;
	p2 =	por !p2, p0  }
0x20: {  	[sflag:s8] =	ssyncset.s32 @!p0 $0xFFFFF086;
	s6 =	sadd.s32 @!p0 s3, s7;
	s7 =	simm.s32 @!p0 $0x108  }
0x21: {  	s3 =	sadd.s32 s3, s9;
	s6 =	sadd.s32 @!p0 $0x88, s6;
	s7 =	simm.s32 @p2 $0x1082  }
0x22: {  	[simem:s7], [sflag:s8] =	dma.local @!p0 [hbm:s6], $0xF7A  }
0x23: {  	s9 =	sor.u32 $0xD0000000, s2;
	s6 =	simm.s32 $0x108;
	_ =	swait.ge @!p0 [sflag:s8], $0x0  }
0x24: {  	s3 =	sadd.s32 $0x88, s3;
	s6 =	simm.s32 @!p1 $0x1082;
	[sflag:s4] =	ssyncset.s32 $0xFFFFF086  }
0x25: {  	[simem:s6], [sflag:s4] =	dma.local [hbm:s3], $0xF7A  }
0x26: {  	[smem:$0x3F9B] =	sst s1;
	(tag) =	ssettag s2;
	_ =	strace s9  }
0x27: {  	s1 =	sld [smem:$0x3FAB]  }
0x28: {  	s2 =	sld [smem:$0x3FAC]  }
0x29: {  	s4 =	sld [smem:$0x3FAE]  }
0x2a: {  	p0 =	seq.s32 s5, $0x0;
	s5 =	sld [smem:$0x3FAF]  }
0x2b: {  	s6 =	sld [smem:$0x3FB0]  }
0x2c: {  	s7 =	sld [smem:$0x3FB1]  }
0x2d: {  	s3 =	simm.s32 $0x108;
	s8 =	sld [smem:$0x3FB2]  }
0x2e: {  	s3 =	simm.s32 @!p0 $0x1082;
	s9 =	sld [smem:$0x3FB3]  }
0x2f: {  	lr =	sadd.s32 s0, s3;
	s0 =	sld [smem:$0x3FAA]  }
0x30: {  	s3 =	sld [smem:$0x3FAD]  }
0x31: {  	[smem:$0x3FB6] =	sst s10  }
0x32: {  	s10 =	sld [smem:$0x3FB4];
	_ =	sdelay $0x3  }
0x33: {  	p0 =	seq.s32 s10, $0x1;
	s10 =	sld [smem:$0x3FB6];
	_ =	sdelay $0x3  }
0x34: {  	[smem:$0x3FB6] =	sst s10  }
0x35: {  	s10 =	sld [smem:$0x3FB5];
	_ =	sdelay $0x3  }
0x36: {  	p1 =	seq.s32 s10, $0x1;
	s10 =	sld [smem:$0x3FB6];
	_ =	sdelay $0x3  }
0x37: {  	[smem:$0x3FB6] =	sst s10  }
0x38: {  	s10 =	sld [smem:$0x3FB7]  }
0x39: {  	_ = 	snop;
	(pc) =	sbr.ind lr, $3  }
0x3a: {  	_ = 	snop  }
0x3b: {  	_ = 	snop  }
0x3c: {  	p2 =	seq.s32 s10, $0x1;
	s10 =	sld [smem:$0x3FB6]  }
0x3d: {  	_ =	shalt  }
0x3e: {  	_ =	shalt  }
0x3f: {  	_ =	shalt  }
0x40: {  	_ =	shalt  }
0x41: {  	_ =	shalt  }
0x42: {  	_ =	shalt  }
0x43: {  	_ =	shalt  }
0x44: {  	_ =	shalt  }
0x45: {  	_ =	shalt  }
0x46: {  	_ =	shalt  }
0x47: {  	_ =	shalt  }
0x48: {  	_ =	shalt  }
0x49: {  	_ =	shalt  }
0x4a: {  	_ =	shalt  }
0x4b: {  	_ =	shalt  }
0x4c: {  	_ =	shalt  }
0x4d: {  	_ =	shalt  }
0x4e: {  	_ =	shalt  }
0x4f: {  	_ =	shalt  }
0x50: {  	_ =	shalt  }
0x51: {  	_ =	shalt  }
0x52: {  	_ =	shalt  }
0x53: {  	_ =	shalt  }
0x54: {  	_ =	shalt  }
0x55: {  	_ =	shalt  }
0x56: {  	_ =	shalt  }
0x57: {  	_ =	shalt  }
0x58: {  	_ =	shalt  }
0x59: {  	_ =	shalt  }
0x5a: {  	_ =	shalt  }
0x5b: {  	_ =	shalt  }
0x5c: {  	_ =	shalt  }
0x5d: {  	_ =	shalt  }
0x5e: {  	_ =	shalt  }
0x5f: {  	_ =	shalt  }
0x60: {  	_ =	shalt  }
0x61: {  	_ =	shalt  }
0x62: {  	_ =	shalt  }
0x63: {  	_ =	shalt  }
0x64: {  	_ =	shalt  }
0x65: {  	_ =	shalt  }
0x66: {  	_ =	shalt  }
0x67: {  	_ =	shalt  }
0x68: {  	_ =	shalt  }
0x69: {  	_ =	shalt  }
0x6a: {  	_ =	shalt  }
0x6b: {  	_ =	shalt  }
0x6c: {  	_ =	shalt  }
0x6d: {  	_ =	shalt  }
0x6e: {  	_ =	shalt  }
0x6f: {  	_ =	shalt  }
0x70: {  	_ =	shalt  }
0x71: {  	_ =	shalt  }
0x72: {  	_ =	shalt  }
0x73: {  	_ =	shalt  }
0x74: {  	_ =	shalt  }
0x75: {  	_ =	shalt  }
0x76: {  	_ =	shalt  }
0x77: {  	_ =	shalt  }
0x78: {  	_ =	shalt  }
0x79: {  	_ =	shalt  }
0x7a: {  	_ =	shalt  }
0x7b: {  	_ =	shalt  }
0x7c: {  	_ =	shalt  }
0x7d: {  	_ =	shalt  }
0x7e: {  	_ =	shalt  }
0x7f: {  	_ =	shalt  }
0x80: {  	_ =	shalt  }
0x81: {  	_ =	shalt  }
0x82: {  	_ =	shalt  }
0x83: {  	_ =	shalt  }
0x84: {  	_ =	shalt  }
0x85: {  	_ =	shalt  }
0x86: {  	_ =	shalt  }
0x87: {  	_ =	shalt  }
.Lfunc_end0:
.L_simem_size_0:
called_computation.1_lowered:
.L_overlay_start_0:
0x88: {  	s2 =	sld [smem:$0x3FD9]  }
0x89: {  	s3 =	sld [smem:$0x3FFE];
	_ =	sdelay $0x1  }
0x8a: {  	s1 =	srdreg.scid  }
0x8b: {  	s0 =	sand.u32 $0x1, s1  }
0x8c: {  	s16 =	sshll.u32 s0, $0xA;
	s2 =	sadd.s32 s3, s2  }
0x8d: {  	s2 =	sadd.s32 s2, s16  }
0x8e: {  	[smem:$0x3FC2] =	sst s2  }
0x8f: {  	_ = 	snop  }
0x90: {  	(tm) =	ssettm $0x1  }
0x91: {  	s17 =	sld [smem:$0x3FFB];
	_ =	sdelay $0x3  }
0x92: {  	_ =	strace s17  }
0x93: {  	s2 =	sld [smem:$0x3FFC];
	_ =	sdelay $0x3  }
0x94: {  	_ =	strace s2  }
0x95: {  	s2 =	sld [smem:$0x3FFD];
	_ =	sdelay $0x3  }
0x96: {  	_ =	strace s2  }
0x97: {  	_ =	strace $0x8FFFFFFF  }
0x98: {  	s18 =	sld [smem:$0x3FDB];
	_ =	sdelay $0x1  }
0x99: {  	s19 =	simm.s32 $_scs_section_size  }
0x9a: {  	s4 =	simm.s32 $_size__tile_overlayer_lowered;
	s5 =	simm.s32 $_tile_overlayer_lowered  }
0x9b: {  	s22 =	simm.s32 $0x1BFF;
	s21 =	sshll.u32 s5, $0x1;
	s2 =	sadd.s32 s19, s18  }
0x9c: {  	s6 =	simm.s32 $0x0;
	s20 =	sshll.u32 s4, $0x1;
	s4 =	sadd.s32 s21, s2  }
0x9d: {  	[timem:s6], [sflag:s22] =	dma.local [hbm:s4], s20  }
0x9e: {  	_ =	swait.ge [sflag:s22], s20  }
0x9f: {  	s3 =	ssub.s32 $0x0, s20;
	[sflag:s22] =	ssyncset.done $0x0  }
0xa0: {  	[sflag:s22] =	ssyncadd.s32 s3;
	_ =	sdelay $0x1  }
0xa1: {  	s23 =	simm.s32 $0x1B8B  }
0xa2: {  	_ =	swait.ge [sflag:s23], $0x1  }
0xa3: {  	[sflag:s23] =	ssyncset.done $0x0  }
0xa4: {  	s25 =	simm.s32 $0x1B8E;
	s24 =	sld [smem:$0x3FFE];
	[sflag:s23] =	ssyncadd.s32 $0xFFFFFFFF  }
0xa5: {  	s26 =	simm.s32 $execute0_lowered;
	[smem:$0x3FD2] =	sst s25  }
0xa6: {  	s4 =	sshll.u32 s26, $0x1;
	_ =	strace $0x80000049;
	[dreg:$0x1] =	wrdreg $0xFFFFFFFF  }
0xa7: {  	s28 =	simm.s32 $_size_execute0_lowered;
	s2 =	sadd.s32 s2, s4;
	[dreg:$0x0] =	wrdreg $0x0  }
0xa8: {  	s4 =	sshll.u32 s28, $0x1;
	[dreg:$0x2] =	wrdreg s2  }
0xa9: {  	[dreg:$0x3] =	wrdreg s4  }
0xaa: {  	[dreg:$0x4] =	wrdreg $0xC0  }
0xab: {  	_ =	task [dreg:s6], $0x5FFFF  }
0xac: {  	[dreg:$0x1] =	wrdreg $0xFFFFFFFF  }
0xad: {  	[dreg:$0x0] =	wrdreg $0x60  }
0xae: {  	[dreg:$0x2] =	wrdreg s24  }
0xaf: {  	[dreg:$0x3] =	wrdreg $0x82000  }
0xb0: {  	[dreg:$0x4] =	wrdreg $0x9  }
0xb1: {  	_ =	task.clear_ibuf [dreg:s6], $0x5FFFF;
	_ =	strace $0x90000049  }
0xb2: {  	s29 =	simm.s32 $0x9;
	_ =	strace $0x8000004B  }
0xb3: {  	_ =	swait.ge [sflag:s29], $0x1  }
0xb4: {  	[sflag:s29] =	ssyncadd.s32 $0xFFFFFFFF  }
0xb5: {  	_ =	strace $0x9000004B  }
0xb6: {  	_ =	sfence  }
0xb7: {  	s30 =	sld [smem:$0x0];
	_ =	sdelay $0x2  }
0xb8: {  	s31 =	sshll.u32 s1, $0xD;
	s1 =	sshrl.u32 s1, $0x2  }
0xb9: {  	s3 =	sand.u32 $0x4000, s31;
	s1 =	sadd.s32 s1, s30  }
0xba: {  	s0 =	sor.u32 s3, s0;
	s1 =	sshll.u32 s1, $0x11  }
0xbb: {  	s0 =	sor.u32 s1, s0  }
0xbc: {  	s0 =	sadd.s32 $0x8F2B, s0  }
0xbd: {  	[sflag:s0] =	ssyncadd.remote.s32 $0x1  }
0xbe: {  	_ =	sfence.sel $0xFFFF  }
0xbf: {  	[dreg:$0x0] =	wrdreg $0xFFFFFFFF;
	(pc) =	sbr.abs _section_cstart, $3  }
0xc0: {  	[dreg:$0x1] =	wrdreg $0xFFFFFFFF  }
0xc1: {  	_ =	task.clear_ibuf [dreg:s6], $0x2FFFF;
	_ =	strace $0x9FFFFFFF  }
0xc2: {  	(tm) =	ssettm $0x7FFFFFFF  }
0xc3: {  	_ =	shalt  }
tec
execute0_lowered:
.L_overlay_start_1:
0x0: {  	(tag) =	ssettag $0x1  }
0x1: {  	s0 =	rddreg [dreg:$0x0]  }
0x2: {  	s1 =	srdreg.scid;
	s2 =	rddreg [dreg:$0x1]  }
0x3: {  	s12 =	stileid.u32;
	s3 =	simm.s32 $0x0;
	s28 =	simm.s32 $0x80  }
0x4: {  	s29 =	simm.s32 $0x180;
	s30 =	simm.s32 $0x1;
	s6 =	smul.u32 $0x14000, s12  }
0x5: {  	s31 =	simm.s32 $0x2;
	s1 =	sand.u32 $0x1, s1;
	s7 =	smul.u32 $0x50000, s12  }
0x6: {  	[smem:$0x7FF] =	sst s3;
	s4 =	sadd.s32 $0x15000, s0;
	s5 =	smul.u32 $0x140000, s1  }
0x7: {  	s8 =	sadd.s32 $0xB000, s0;
	s22 =	smul.u32 $0x2800, s12;
	_ =	strace $0x8000004A  }
0x8: {  	s25 =	sshll.u32 s1, $0x4;
	s9 =	ssub.s32 $0x2, s1;
	s5 =	sadd.s32 s6, s5  }
0x9: {  	s1 =	smul.u32 $0x28000, s1;
	s7 =	sshrl.u32 s7, $0x2;
	s5 =	sshrl.u32 s5, $0x3  }
0xa: {  	s6 =	sadd.s32 $0x1000, s0;
	s0 =	sadd.s32 s5, s0;
	s5 =	sor.u32 s12, s25  }
0xb: {  	s10 =	sshrl.u32 s9, $0x1;
	s11 =	smul.u32 $0x2800, s5;
	s5 =	sadd.s32 s7, s2  }
0xc: {  	s26 =	ssub.s32 s9, s10;
	s1 =	sadd.s32 s22, s1;
	s10 =	sadd.s32 $0x4000, s5  }
0xd: {  	s25 =	sor.u32 $0x280, s1;
	s13 =	sadd.s32 $0x8000, s5;
	[dreg:$0x3] =	wrdreg s10  }
0xe: {  	s1 =	sor.u32 $0x200, s1;
	s14 =	sadd.s32 $0xC000, s5;
	[dreg:$0x4] =	wrdreg s13  }
0xf: {  	s7 =	simm.s32 $0x6;
	s15 =	sadd.s32 $0x10000, s5;
	[dreg:$0x5] =	wrdreg s14  }
0x10: {  	[dreg:$0x6] =	wrdreg s15;
	s16 =	sshrl.u32 s11, $0x3;
	s20 =	sor.u32 $0x100, s11  }
0x11: {  	s21 =	sor.u32 $0x180, s11;
	s14 =	sadd.s32 $0x3D000, s0;
	s15 =	smax.u32 s26, $0x1  }
0x12: {  	s0 =	sshrl.u32 s25, $0x3;
	s26 =	sshrl.u32 s1, $0x3;
	s25 =	simm.s32 $0x3  }
0x13: {  	s1 =	simm.s32 $0x5;
	s17 =	sadd.s32 s6, s16;
	s18 =	sadd.s32 s8, s16  }
0x14: {  	s9 =	sor.u32 $0x10, s16;
	s23 =	sshrl.u32 s20, $0x3;
	s24 =	sshrl.u32 s21, $0x3  }
0x15: {  	s20 =	sadd.s32 s0, s8;
	s21 =	sadd.s32 s0, s6;
	[dreg:$0x7] =	wrdreg s17  }
0x16: {  	s22 =	sadd.s32 s26, s8;
	s0 =	simm.s32 $0x4200;
	[dreg:$0x8] =	wrdreg s18  }
.Ltmp0:
0x17: {  	s19 =	sadd.s32 s6, s9;
	s9 =	sadd.s32 s8, s9;
	(pc) =	sbr.rel .LBB2_1-.Ltmp0, $4  }
0x18: {  	s16 =	sadd.s32 s6, s23;
	s17 =	sadd.s32 s8, s23;
	s18 =	sadd.s32 s6, s24  }
0x19: {  	s23 =	sadd.s32 s26, s6;
	s26 =	simm.s32 $0x100;
	[dreg:$0x9] =	wrdreg s19  }
0x1a: {  	s6 =	simm.s32 $0x4;
	[dreg:$0xa] =	wrdreg s9;
	s19 =	sadd.s32 s8, s24  }
0x1b: {  	v0 =	vimm.f32 $0.0e+00;
	s24 =	simm.s32 $0x200;
	s8 =	simm.s32 $0x7;
	s9 =	simm.s32 $0x0  }
.LBB2_6:
0x1c: {  	_ =	swait.ge [sflag:s7], $0x4000;
	s10 =	stileid.u32  }
0x1d: {  	s11 =	sshrl.u32 s5, $0x3;
	s9 =	sadd.s32 $0x1, s9;
	[sflag:s7] =	ssyncset.done $0x0  }
0x1e: {  	s10 =	sshll.u32 s10, $0x6;
	p0 =	sne.s32 s9, s15;
	[sflag:s7] =	ssyncadd.s32 $0xFFFFC000  }
.Ltmp1:
0x1f: {  	s10 =	sor.u32 $0x1C07, s10;
	[bflag:$0x0] =	sbarrier.arrive $0xFFFF;
	(pc) =	sbr.rel @!p0 .LBB2_7-.Ltmp1, $4  }
0x20: {  	[hbm:s14], [sflag:s10] =	dma.local [spmem:s11], $0x2800  }
0x21: {  	_ =	swait.ge [sflag:s8], $0x2800  }
0x22: {  	[sflag:s8] =	ssyncset.done $0x0  }
0x23: {  	[sflag:s8] =	ssyncadd.s32 $0xFFFFD800  }
.LBB2_1:
0x24: {  	s10 =	simm.s32 $0x0;
	s11 =	simm.s32 $0x200  }
.LBB2_2:
0x25: {  	p0 =	sne.s32 s11, $0xFE00;
	[tilespmem:s10+$0x270] =	vst v0  }
0x26: {  	[tilespmem:s10+$0x200] =	vst v0  }
0x27: {  	[tilespmem:s10+$0x210] =	vst v0  }
.Ltmp2:
0x28: {  	[tilespmem:s10+$0x220] =	vst v0;
	(pc) =	sbr.rel @p0 .LBB2_2-.Ltmp2, $4  }
0x29: {  	[tilespmem:s10+$0x230] =	vst v0  }
0x2a: {  	[tilespmem:s10+$0x240] =	vst v0  }
0x2b: {  	[tilespmem:s10+$0x250] =	vst v0  }
0x2c: {  	[tilespmem:s10+$0x260] =	vst v0;
	s10 =	sshra.s32 s11, $0x2;
	s11 =	sadd.s32 $0x200, s11  }
0x2d: {  	[tilespmem:s10+$0x270] =	vst v0  }
0x2e: {  	[tilespmem:s10+$0x200] =	vst v0  }
0x2f: {  	[tilespmem:s10+$0x210] =	vst v0  }
0x30: {  	[tilespmem:s10+$0x220] =	vst v0  }
0x31: {  	[tilespmem:s10+$0x230] =	vst v0  }
0x32: {  	[tilespmem:s10+$0x240] =	vst v0  }
0x33: {  	[tilespmem:s10+$0x250] =	vst v0  }
0x34: {  	[tilespmem:s10+$0x260] =	vst v0  }
0x35: {  	[spmem:s5] =	stream.linear.scatter [tilespmem:s24], [sflag:$0x3], $0x4000, $0x38;
	[tilespmem:$0x1C200] =	vst v63  }
0x36: {  	s12 =	rddreg [dreg:$0x3]  }
0x37: {  	[spmem:s12] =	stream.linear.scatter [tilespmem:s24], [sflag:$0x3], $0x4000, $0x38;
	[tilespmem:$0x1C200] =	vst v63  }
0x38: {  	s13 =	rddreg [dreg:$0x4]  }
0x39: {  	[spmem:s13] =	stream.linear.scatter [tilespmem:s24], [sflag:$0x3], $0x4000, $0x38;
	[tilespmem:$0x1C200] =	vst v63  }
0x3a: {  	s11 =	rddreg [dreg:$0x5]  }
0x3b: {  	[spmem:s11] =	stream.linear.scatter [tilespmem:s24], [sflag:$0x3], $0x4000, $0x38;
	[tilespmem:$0x1C200] =	vst v63  }
0x3c: {  	s12 =	rddreg [dreg:$0x6]  }
0x3d: {  	[spmem:s12] =	stream.linear.scatter [tilespmem:s24], [sflag:$0x3], $0x4000, $0x38;
	[tilespmem:$0x1C200] =	vst v63  }
0x3e: {  	_ =	swait.ge [sflag:s25], $0x4000  }
0x3f: {  	[sflag:s25] =	ssyncset.done $0x0  }
0x40: {  	[sflag:s25] =	ssyncadd.s32 $0xFFFFC000  }
0x41: {  	_ =	swait.ge [sflag:s25], $0x4000  }
0x42: {  	[sflag:s25] =	ssyncset.done $0x0  }
0x43: {  	[sflag:s25] =	ssyncadd.s32 $0xFFFFC000  }
0x44: {  	_ =	swait.ge [sflag:s25], $0x4000  }
0x45: {  	[sflag:s25] =	ssyncset.done $0x0  }
0x46: {  	[sflag:s25] =	ssyncadd.s32 $0xFFFFC000  }
0x47: {  	_ =	swait.ge [sflag:s25], $0x4000  }
0x48: {  	[sflag:s25] =	ssyncset.done $0x0  }
0x49: {  	[sflag:s25] =	ssyncadd.s32 $0xFFFFC000  }
0x4a: {  	_ =	swait.ge [sflag:s25], $0x4000  }
0x4b: {  	[sflag:s25] =	ssyncset.done $0x0  }
0x4c: {  	[sflag:s25] =	ssyncadd.s32 $0xFFFFC000  }
0x4d: {  	[bflag:$0x0] =	sbarrier.arrive $0xFFFF  }
0x4e: {  	s10 =	simm.s32 $0x0;
	s11 =	rddreg [dreg:$0x7]  }
0x4f: {  	[tilespmem:s10], [sflag:$0x1] =	stream.linear.gather [hbm4b:s11+s10], $0x80, $0x38;
	[tilespmem:$0x1C200] =	vst v63  }
0x50: {  	s13 =	rddreg [dreg:$0x8]  }
0x51: {  	[tilespmem:s26], [sflag:$0x1] =	stream.linear.gather [hbm4b:s13+s10], $0x80, $0x38;
	[tilespmem:$0x1C200] =	vst v63  }
0x52: {  	s12 =	rddreg [dreg:$0x9]  }
0x53: {  	[tilespmem:s28], [sflag:$0x2] =	stream.linear.gather [hbm4b:s12+s10], $0x80, $0x38;
	[tilespmem:$0x1C200] =	vst v63  }
0x54: {  	s13 =	rddreg [dreg:$0xa]  }
0x55: {  	[tilespmem:s29], [sflag:$0x2] =	stream.linear.gather [hbm4b:s13+s10], $0x80, $0x38;
	[tilespmem:$0x1C200] =	vst v63  }
0x56: {  	_ =	swait.ge [sflag:s30], $0x80  }
0x57: {  	[sflag:s30] =	ssyncset.done $0x0  }
0x58: {  	[sflag:s30] =	ssyncadd.s32 $0xFFFFFF80  }
0x59: {  	_ =	swait.ge [sflag:s30], $0x80  }
0x5a: {  	[sflag:s30] =	ssyncset.done $0x0  }
0x5b: {  	[sflag:s30] =	ssyncadd.s32 $0xFFFFFF80  }
0x5c: {  	[tilespmem:s24], [sflag:$0x3] =	stream.indirect.gather [hbm4b:s4+s28], $0x80, s10, s28, $0xb8;
	[tilespmem:$0x1C200] =	vst v63  }
0x5d: {  	_ =	swait.ge [sflag:s31], $0x80  }
0x5e: {  	[sflag:s31] =	ssyncset.done $0x0  }
0x5f: {  	[sflag:s31] =	ssyncadd.s32 $0xFFFFFF80  }
0x60: {  	_ =	swait.ge [sflag:s31], $0x80  }
0x61: {  	[sflag:s31] =	ssyncset.done $0x0  }
0x62: {  	[sflag:s31] =	ssyncadd.s32 $0xFFFFFF80  }
0x63: {  	[tilespmem:s0], [sflag:$0x4] =	stream.indirect.gather [hbm4b:s4+s28], $0x80, s28, s28, $0xb8;
	[tilespmem:$0x1C200] =	vst v63  }
0x64: {  	_ =	swait.ge [sflag:s25], $0x4000  }
0x65: {  	[sflag:s25] =	ssyncset.done $0x0  }
0x66: {  	[sflag:s25] =	ssyncadd.s32 $0xFFFFC000  }
0x67: {  	[spmem:s2] =	stream.indirect.scatter.add.f32 [tilespmem:s24], [sflag:$0x5], $0x80, s26, s28, $0xb8;
	[tilespmem:$0x1C200] =	vst v63  }
0x68: {  	_ = 	snop  }
0x69: {  	[tilespmem:s10], [sflag:$0x1] =	stream.linear.gather [hbm4b:s16+s10], $0x80, $0x38;
	[tilespmem:$0x1C200] =	vst v63  }
0x6a: {  	_ = 	snop  }
0x6b: {  	[tilespmem:s26], [sflag:$0x1] =	stream.linear.gather [hbm4b:s17+s10], $0x80, $0x38;
	[tilespmem:$0x1C200] =	vst v63  }
0x6c: {  	_ =	swait.ge [sflag:s1], $0x4000  }
0x6d: {  	[sflag:s1] =	ssyncset.done $0x0  }
0x6e: {  	[sflag:s1] =	ssyncadd.s32 $0xFFFFC000  }
0x6f: {  	_ =	swait.ge [sflag:s30], $0x80  }
0x70: {  	[sflag:s30] =	ssyncset.done $0x0  }
0x71: {  	[sflag:s30] =	ssyncadd.s32 $0xFFFFFF80  }
0x72: {  	_ =	swait.ge [sflag:s30], $0x80  }
0x73: {  	[sflag:s30] =	ssyncset.done $0x0  }
0x74: {  	[sflag:s30] =	ssyncadd.s32 $0xFFFFFF80  }
0x75: {  	[tilespmem:s24], [sflag:$0x3] =	stream.indirect.gather [hbm4b:s4+s28], $0x80, s10, s28, $0xb8;
	[tilespmem:$0x1C200] =	vst v63  }
0x76: {  	_ =	swait.ge [sflag:s6], $0x4000  }
0x77: {  	[sflag:s6] =	ssyncset.done $0x0  }
0x78: {  	[sflag:s6] =	ssyncadd.s32 $0xFFFFC000  }
0x79: {  	[spmem:s2] =	stream.indirect.scatter.add.f32 [tilespmem:s0], [sflag:$0x6], $0x80, s29, s28, $0xb8;
	[tilespmem:$0x1C200] =	vst v63  }
0x7a: {  	_ = 	snop  }
0x7b: {  	[tilespmem:s28], [sflag:$0x2] =	stream.linear.gather [hbm4b:s18+s10], $0x80, $0x38;
	[tilespmem:$0x1C200] =	vst v63  }
0x7c: {  	_ = 	snop  }
0x7d: {  	[tilespmem:s29], [sflag:$0x2] =	stream.linear.gather [hbm4b:s19+s10], $0x80, $0x38;
	[tilespmem:$0x1C200] =	vst v63  }
.LBB2_4:
0x7e: {  	_ =	swait.ge [sflag:s7], $0x4000  }
0x7f: {  	[sflag:s7] =	ssyncset.done $0x0  }
0x80: {  	[sflag:s7] =	ssyncadd.s32 $0xFFFFC000  }
0x81: {  	_ =	swait.ge [sflag:s31], $0x80  }
0x82: {  	[sflag:s31] =	ssyncset.done $0x0  }
0x83: {  	[sflag:s31] =	ssyncadd.s32 $0xFFFFFF80  }
0x84: {  	_ =	swait.ge [sflag:s31], $0x80  }
0x85: {  	[sflag:s31] =	ssyncset.done $0x0  }
0x86: {  	[sflag:s31] =	ssyncadd.s32 $0xFFFFFF80  }
0x87: {  	[tilespmem:s0], [sflag:$0x4] =	stream.indirect.gather [hbm4b:s4+s28], $0x80, s28, s28, $0xb8;
	[tilespmem:$0x1C200] =	vst v63  }
0x88: {  	_ =	swait.ge [sflag:s25], $0x4000  }
0x89: {  	p0 =	seq.s32 s10, $0x4C0;
	[sflag:s25] =	ssyncset.done $0x0  }
0x8a: {  	s11 =	simm.s32 @p0 $0x5;
	[sflag:s25] =	ssyncadd.s32 $0xFFFFC000  }
0x8b: {  	[spmem:s2] =	stream.indirect.scatter.add.f32 [tilespmem:s24], [sflag:$0x5], $0x80, s26, s28, $0xb8;
	[tilespmem:$0x1C200] =	vst v63  }
0x8c: {  	_ =	swait.ge @p0 [sflag:s11], $0x4000  }
0x8d: {  	[sflag:s11] =	ssyncset.done @p0 $0x0  }
0x8e: {  	s12 =	simm.s32 @!p0 $0x0;
	[sflag:s11] =	ssyncadd.s32 @p0 $0xFFFFC000;
	s11 =	sadd.s32 @!p0 s10, s23  }
0x8f: {  	[tilespmem:s12], [sflag:$0x1] =	stream.linear.gather @!p0 [hbm4b:s11+s12], $0x80, $0x38;
	[tilespmem:$0x1C200] =	vst v63  }
0x90: {  	s13 =	simm.s32 @!p0 $0x100;
	s11 =	sadd.s32 @!p0 s10, s22  }
0x91: {  	[tilespmem:s13], [sflag:$0x1] =	stream.linear.gather @!p0 [hbm4b:s11+s12], $0x80, $0x38;
	[tilespmem:$0x1C200] =	vst v63  }
0x92: {  	s11 =	simm.s32 @!p0 $0x5  }
0x93: {  	_ =	swait.ge @!p0 [sflag:s11], $0x4000  }
0x94: {  	[sflag:s11] =	ssyncset.done @!p0 $0x0  }
0x95: {  	[sflag:s11] =	ssyncadd.s32 @!p0 $0xFFFFC000;
	s11 =	simm.s32 @!p0 $0x1  }
0x96: {  	_ =	swait.ge @!p0 [sflag:s11], $0x80  }
0x97: {  	[sflag:s11] =	ssyncset.done @!p0 $0x0  }
0x98: {  	[sflag:s11] =	ssyncadd.s32 @!p0 $0xFFFFFF80  }
0x99: {  	_ =	swait.ge @!p0 [sflag:s11], $0x80  }
0x9a: {  	[sflag:s11] =	ssyncset.done @!p0 $0x0  }
0x9b: {  	s13 =	simm.s32 @!p0 $0x200;
	[sflag:s11] =	ssyncadd.s32 @!p0 $0xFFFFFF80;
	s11 =	simm.s32 @!p0 $0x80  }
0x9c: {  	[tilespmem:s13], [sflag:$0x3] =	stream.indirect.gather @!p0 [hbm4b:s4+s11], $0x80, s12, s11, $0xb8;
	[tilespmem:$0x1C200] =	vst v63  }
.Ltmp3:
0x9d: {  	_ = 	snop;
	(pc) =	sbr.rel @p0 .LBB2_6-.Ltmp3, $4  }
0x9e: {  	_ =	swait.ge [sflag:s6], $0x4000  }
0x9f: {  	[sflag:s6] =	ssyncset.done $0x0  }
0xa0: {  	[sflag:s6] =	ssyncadd.s32 $0xFFFFC000  }
0xa1: {  	[spmem:s2] =	stream.indirect.scatter.add.f32 [tilespmem:s0], [sflag:$0x6], $0x80, s29, s28, $0xb8;
	[tilespmem:$0x1C200] =	vst v63  }
.Ltmp4:
0xa2: {  	(pc) =	sbr.rel .LBB2_4-.Ltmp4, $4  }
0xa3: {  	s11 =	sadd.s32 s10, s21  }
0xa4: {  	[tilespmem:s28], [sflag:$0x2] =	stream.linear.gather [hbm4b:s11+s3], $0x80, $0x38;
	[tilespmem:$0x1C200] =	vst v63  }
0xa5: {  	s13 =	sadd.s32 s10, s20;
	s10 =	sadd.s32 $0x20, s10  }
0xa6: {  	[tilespmem:s29], [sflag:$0x2] =	stream.linear.gather [hbm4b:s13+s3], $0x80, $0x38;
	[tilespmem:$0x1C200] =	vst v63  }
.LBB2_7:
0xa7: {  	_ =	sfence.sel $0x180000  }
0xa8: {  	[bflag:$0x0] =	sbarrier.arrive $0xFFFF  }
0xa9: {  	_ =	strace $0x9000004A  }
0xaa: {  	s0 =	stileid.u32;
	[bflag:$0x2] =	sbarrier.arrive $0xFFFF  }
0xab: {  	p0 =	sne.s32 s0, $0x0;
	s0 =	rddreg [dreg:$0x2]  }
0xac: {  	s0 =	sadd.s32 @!p0 $0x100000, s0  }
0xad: {  	[sflag:s0] =	ssyncadd.tile.s32 @!p0 $0x1;
	_ =	shalt  }
.Lfunc_end2:
_tile_overlayer_lowered:
.L_overlay_start_2:
0xae: {  	(tag) =	ssettag $0x2  }
0xaf: {  	s0 =	rddreg [dreg:$0x0];
	s2 =	stileid.u32  }
0xb0: {  	s1 =	rddreg [dreg:$0x1];
	p0 =	sne.s32 s2, $0x0  }
0xb1: {  	s3 =	rddreg [dreg:$0x2];
	[bflag:$0x3] =	sbarrier.arrive $0xFFFF;
	s2 =	simm.s32 @!p0 $0x1C07  }
0xb2: {  	[timem:s3], [sflag:s2] =	dma.local @!p0 [hbm:s0], s1  }
0xb3: {  	s0 =	simm.s32 @!p0 $0x7  }
0xb4: {  	_ =	swait.ge @!p0 [sflag:s0], s1  }
0xb5: {  	s1 =	ssub.s32 @!p0 $0x0, s1;
	[sflag:s0] =	ssyncset.done @!p0 $0x0  }
0xb6: {  	[sflag:s0] =	ssyncadd.s32 @!p0 s1  }
0xb7: {  	[bflag:$0x3] =	sbarrier.arrive $0xFFFF  }
0xb8: {  	_ =	shalt  }

</sc_bundles>
